<compile_context>
chip_gen: v7x
topology: tpu7x:2x2x1
jax: 0.10.2.dev20260603
libtpu: 0.0.44.dev20260713+nightly
codegen_flags: <defaults>
</compile_context>

<pallas_src>
import functools

import jax
import jax.numpy as jnp
from jax import lax
from jax.experimental import pallas as pl
from jax.experimental.pallas import tpu as pltpu
from jax.experimental.pallas import tpu_sc as plsc

_N = 640000
_NSEG = 10000
_H = 128
_R = 6400
_NBLK = _N // _R
_Q = 80
_SPAD = _Q * 128
_TAU = 0.1
_EPS = 1e-5


def _ln_cols(t, g, b):
    mu = jnp.mean(t, axis=0, keepdims=True)
    d = t - mu
    var = jnp.mean(d * d, axis=0, keepdims=True)
    return d / jnp.sqrt(var + _EPS) * g + b


def _tc_body(x_ref, b_ref, gw_ref, gb_ref, be1_ref, pp_ref, pq_ref,
             pc_ref,
             w2_ref, b2_ref, g2_ref, g2b_ref, w3_ref, b3_ref, w4_ref,
             b4_ref, w5_ref, g0_ref, g1n_ref, dec_ref,
             acc_ref, comp_ref, cnt_ref, scal_ref):
    pid = pl.program_id(0)
    x = x_ref[0]
    bi = b_ref[0]
    var1 = pp_ref[...] * (x * x) + pq_ref[...] * x + pc_ref[...]
    inv1 = 1.0 / jnp.sqrt(var1 + _EPS)
    h1 = jax.nn.relu(
        gw_ref[...] * (x * inv1) + gb_ref[...] * inv1 + be1_ref[...])
    h2 = jnp.dot(w2_ref[...], h1, preferred_element_type=jnp.float32)
    h2 = jax.nn.relu(_ln_cols(h2 + b2_ref[...], g2_ref[...], g2b_ref[...]))
    u = jax.nn.relu(
        jnp.dot(w3_ref[...], h2, preferred_element_type=jnp.float32)
        + b3_ref[...])
    a = jnp.dot(w4_ref[...], u, preferred_element_type=jnp.float32) \
        + b4_ref[...]
    z = jnp.dot(w5_ref[...], h2, preferred_element_type=jnp.float32)

    first = pid == 0
    blkmax = jnp.max(a)
    m_old = jnp.where(first, blkmax, scal_ref[0, 0])
    m_new = jnp.maximum(m_old, blkmax)
    alpha = jnp.exp(m_old - m_new)
    e = jnp.exp(a - m_new)

    w0 = z[0:1] * e
    w1v = z[1:2] * e
    q_oh = (bi // 128 ==
            lax.broadcasted_iota(jnp.int32, (_Q, _R), 0)
            ).astype(jnp.float32)
    r_oh = (bi % 128 ==
            lax.broadcasted_iota(jnp.int32, (128, _R), 0)
            ).astype(jnp.float32)
    lhs = jnp.concatenate([q_oh * w0, q_oh * w1v], axis=0)
    part = jax.lax.dot_general(
        lhs, r_oh, (((1,), (1,)), ((), ())),
        preferred_element_type=jnp.float32)
    part_c = jax.lax.dot_general(
        q_oh, r_oh, (((1,), (1,)), ((), ())),
        preferred_element_type=jnp.float32)

    acc_old = jnp.where(first, 0.0, acc_ref[...]) * alpha
    comp_old = jnp.where(first, 0.0, comp_ref[...]) * alpha
    y = part - comp_old
    t_acc = acc_old + y
    comp_ref[...] = (t_acc - acc_old) - y
    acc_ref[...] = t_acc
    cnt_ref[...] = jnp.where(first, 0.0, cnt_ref[...]) + part_c

    s_old = jnp.where(first, 0.0, scal_ref[1, 0]) * alpha
    cs_old = jnp.where(first, 0.0, scal_ref[2, 0]) * alpha
    ys = jnp.sum(e) - cs_old
    t_s = s_old + ys
    scal_ref[0, 0] = m_new
    scal_ref[1, 0] = t_s
    scal_ref[2, 0] = (t_s - s_old) - ys

    @pl.when(pid == _NBLK - 1)
    def _():
        acc = acc_ref[...]
        s_tot = scal_ref[1, 0]
        po0 = acc[0:_Q, :]
        po1 = acc[_Q:2 * _Q, :]
        cnt = jnp.clip(cnt_ref[...], 1.0, None)
        l0 = po0 / (s_tot * cnt)
        l1 = po1 / (s_tot * cnt)
        y0 = (l0 + g0_ref[...]) / _TAU
        y1 = (l1 + g1n_ref[...]) / _TAU
        mm = jnp.maximum(y0, y1)
        e0 = jnp.exp(y0 - mm)
        e1 = jnp.exp(y1 - mm)
        ys0 = e0 / (e0 + e1)
        hard0 = jnp.where(y0 >= y1, 1.0, 0.0)
        dec_ref[...] = (hard0 - ys0) + ys0


def _tc_pooled(xrow, brow, gwt, gbt, be1t, pp, pq, pc, w2t, b2t, g2t,
               be2t, w3t, b3t, w4t, b4t, w5t, gum0, gum1):
    full = lambda s: pl.BlockSpec(s, lambda i: (0,) * len(s))
    return pl.pallas_call(
        _tc_body,
        grid=(_NBLK,),
        in_specs=[
            pl.BlockSpec((1, 1, _R), lambda i: (i, 0, 0)),
            pl.BlockSpec((1, 1, _R), lambda i: (i, 0, 0)),
            full((_H, _R)), full((_H, _R)), full((_H, _R)),
            full((1, 1)), full((1, 1)), full((1, 1)),
            full((_H, _H)), full((_H, _R)), full((_H, _R)), full((_H, _R)),
            full((_H // 2, _H)), full((_H // 2, _R)),
            full((1, _H // 2)), full((1, 1)),
            full((2, _H)),
            full((_Q, 128)), full((_Q, 128)),
        ],
        out_specs=pl.BlockSpec((_Q, 128), lambda i: (0, 0)),
        out_shape=jax.ShapeDtypeStruct((_Q, 128), jnp.float32),
        scratch_shapes=[
            pltpu.VMEM((2 * _Q, 128), jnp.float32),
            pltpu.VMEM((2 * _Q, 128), jnp.float32),
            pltpu.VMEM((_Q, 128), jnp.float32),
            pltpu.SMEM((3, 1), jnp.float32),
        ],
    )(xrow, brow, gwt, gbt, be1t, pp, pq, pc, w2t, b2t, g2t, be2t,
      w3t, b3t, w4t, b4t, w5t, gum0, gum1)


_NW = 32
_CH = _N // _NW


def _sc_gather(table, idx):
    mesh = plsc.VectorSubcoreMesh(core_axis_name="c", subcore_axis_name="s")

    @functools.partial(
        pl.kernel, mesh=mesh,
        out_type=jax.ShapeDtypeStruct((_N,), jnp.float32),
        compiler_params=pltpu.CompilerParams(needs_layout_passes=False),
        scratch_types=[
            pltpu.VMEM((_SPAD,), jnp.float32),
            pltpu.VMEM((_CH,), jnp.int32),
            pltpu.VMEM((_CH,), jnp.float32),
        ],
    )
    def k(tbl_hbm, idx_hbm, out_hbm, tbl_v, idx_v, val_v):
        wid = lax.axis_index("s") * 2 + lax.axis_index("c")
        base = wid * _CH
        pltpu.sync_copy(tbl_hbm, tbl_v)
        pltpu.sync_copy(idx_hbm.at[pl.ds(base, _CH)], idx_v)

        def body(i, carry):
            ix = idx_v[pl.ds(i * 16, 16)]
            val_v[pl.ds(i * 16, 16)] = plsc.load_gather(tbl_v, [ix])
            return carry

        lax.fori_loop(0, _CH // 16, body, 0, unroll=8)
        pltpu.sync_copy(val_v, out_hbm.at[pl.ds(base, _CH)])

    return k(table, idx)


def kernel(x, batch, W1, b1, g1, be1, W2, b2, g2, be2, W3, b3, W4, b4,
           W5, b5):
    xrow = x.astype(jnp.float32).reshape(_NBLK, 1, _R)
    bi = batch.astype(jnp.int32)
    brow = bi.reshape(_NBLK, 1, _R)

    tile = lambda v: jnp.broadcast_to(
        v.astype(jnp.float32).reshape(-1, 1), (v.size, _R))

    gk = jax.random.key(42)
    u = jax.random.uniform(gk, (_NSEG, 2), jnp.float32, 1e-10, 1.0)
    gn = -jnp.log(-jnp.log(u)) + b5[None, :]
    gn = jnp.pad(gn, ((0, _SPAD - _NSEG), (0, 0)))
    gum0 = gn[:, 0].reshape(_Q, 128)
    gum1 = gn[:, 1].reshape(_Q, 128)

    w1f = W1.reshape(_H).astype(jnp.float32)
    b1f = b1.astype(jnp.float32)
    wc = w1f - jnp.mean(w1f)
    bc = b1f - jnp.mean(b1f)
    pp = jnp.mean(wc * wc).reshape(1, 1)
    pq = (2.0 * jnp.mean(wc * bc)).reshape(1, 1)
    pc = jnp.mean(bc * bc).reshape(1, 1)

    dec = _tc_pooled(
        xrow, brow,
        tile(g1 * wc), tile(g1 * bc), tile(be1), pp, pq, pc,
        W2.T, tile(b2), tile(g2), tile(be2),
        W3.T, tile(b3), W4.T, b4.reshape(1, 1), W5.T, gum0, gum1)

    table = dec.reshape(_SPAD)
    return _sc_gather(table, bi)

# --- scband reference (transcript-rebuilt; emitter-appended) ---
"""Pipeline reference for scband-reflectancegate-65549790871627 (READ-ONLY COPY).

The authoritative reference and input builder live on the scoring server;
editing this copy changes nothing except your own understanding.
"""

import jax, jax.numpy as jnp
import numpy as np

N = 640000
NUM_SEG = 10000
H = 128

def _lin_init(k, fan_in, shape):
    bound = 1.0 / np.sqrt(fan_in)
    return jax.random.uniform(k, shape, jnp.float32, -bound, bound)

def setup_inputs(seed: int = 0) -> dict:
    key = jax.random.key(seed)
    ks = jax.random.split(key, 16)
    inp = {}
    inp['x'] = jax.random.normal(ks[0], (N,), dtype=jnp.float32)
    inp['batch'] = jnp.sort(jax.random.randint(ks[1], (N,), 0, NUM_SEG)).astype(jnp.int64)
    inp['W1'] = _lin_init(ks[2], 1, (1, H)); inp['b1'] = _lin_init(ks[3], 1, (H,))
    inp['g1'] = jnp.ones((H,), jnp.float32); inp['be1'] = jnp.zeros((H,), jnp.float32)
    inp['W2'] = _lin_init(ks[4], H, (H, H)); inp['b2'] = _lin_init(ks[5], H, (H,))
    inp['g2'] = jnp.ones((H,), jnp.float32); inp['be2'] = jnp.zeros((H,), jnp.float32)
    inp['W3'] = _lin_init(ks[6], H, (H, H // 2)); inp['b3'] = _lin_init(ks[7], H, (H // 2,))
    inp['W4'] = _lin_init(ks[8], H // 2, (H // 2, 1)); inp['b4'] = _lin_init(ks[9], H // 2, (1,))
    inp['W5'] = _lin_init(ks[10], H, (H, 2)); inp['b5'] = _lin_init(ks[11], H, (2,))
    return inp

def _layer_norm(x, g, b, eps=1e-5):
    mu = jnp.mean(x, axis=-1, keepdims=True)
    var = jnp.mean((x - mu) ** 2, axis=-1, keepdims=True)
    return (x - mu) / jnp.sqrt(var + eps) * g + b

def reference(x, batch, W1, b1, g1, be1, W2, b2, g2, be2, W3, b3, W4, b4, W5, b5):
    tau = 0.1  # eval mode -> tau_min
    xr = x.reshape(-1, 1).astype(jnp.float32)
    h = jax.nn.relu(_layer_norm(xr @ W1 + b1, g1, be1))
    h = jax.nn.relu(_layer_norm(h @ W2 + b2, g2, be2))
    attn = (jax.nn.relu(h @ W3 + b3) @ W4 + b4).squeeze(-1)
    attn = jax.nn.softmax(attn, axis=0)
    num_samples = NUM_SEG
    weighted = h * attn[:, None]
    pooled = jax.ops.segment_sum(weighted, batch, num_segments=num_samples)
    counts = jnp.bincount(batch, length=num_samples)
    pooled = pooled / jnp.clip(counts[:, None].astype(jnp.float32), 1.0, None)
    logits = pooled @ W5 + b5
    # gumbel-softmax hard with deterministic noise key
    gk = jax.random.key(42)
    u = jax.random.uniform(gk, logits.shape, jnp.float32, 1e-10, 1.0)
    gn = -jnp.log(-jnp.log(u))
    y_soft = jax.nn.softmax((logits + gn) / tau, axis=-1)
    idx = jnp.argmax(y_soft, axis=-1)
    y_hard = jax.nn.one_hot(idx, 2, dtype=y_soft.dtype)
    decisions = jax.lax.stop_gradient(y_hard - y_soft) + y_soft
    return decisions[:, 0][batch]

if __name__ == "__main__":
    import jax
    _d = setup_inputs()
    print(jax.jit(kernel)(*tuple(_d.values())))

</pallas_src>

<mosaic_0001>
#map = affine_map<(d0, d1) -> (0)>
module attributes {stable_mosaic.version = 14 : i64} {
  func.func @k(%arg0: i32, %arg1: i32, %arg2: memref<10240xf32, #tpu.memory_space<hbm>>, %arg3: memref<640000xi32, #tpu.memory_space<hbm>>, %arg4: memref<640000xf32, #tpu.memory_space<hbm>>, %arg5: memref<10240xf32, #tpu.memory_space<vmem>>, %arg6: memref<20000xi32, #tpu.memory_space<vmem>>, %arg7: memref<20000xf32, #tpu.memory_space<vmem>>) attributes {dimension_semantics = [#tpu.dimension_semantics<core_parallel>, #tpu.dimension_semantics<subcore_parallel>], iteration_bounds = array<i64: 2, 16>, scalar_prefetch = 0 : i64, scratch_operands = 3 : i64, tpu.core_type = #tpu.core_type<sc_vector_subcore>, window_params = [{transform_indices = #map}, {transform_indices = #map}, {transform_indices = #map}]} {
    %mul3A = arith.constant 2 : i32
    %mul3A_0 = arith.muli %arg1, %mul3A : i32
    %add3A = arith.addi %mul3A_0, %arg0 : i32
    %mul3A_1 = arith.constant 20000 : i32
    %mul3A_2 = arith.muli %add3A, %mul3A_1 : i32
    "tpu.region"() ({
      %run_scoped3A = tpu.sem_alloc : memref<!tpu.dma_semaphore, #tpu.memory_space<semaphore_mem>>
      tpu.enqueue_dma source(%arg2 : memref<10240xf32, #tpu.memory_space<hbm>>) target(%arg5 : memref<10240xf32, #tpu.memory_space<vmem>>) target_semaphore(%run_scoped3A : memref<!tpu.dma_semaphore, #tpu.memory_space<semaphore_mem>>)
      tpu.wait_dma2 semaphore(%run_scoped3A : memref<!tpu.dma_semaphore, #tpu.memory_space<semaphore_mem>>) src(%arg2 : memref<10240xf32, #tpu.memory_space<hbm>>) dst(%arg5 : memref<10240xf32, #tpu.memory_space<vmem>>)
      tpu.yield
    }) : () -> ()
    "tpu.region"() ({
      %run_scoped3A = tpu.sem_alloc : memref<!tpu.dma_semaphore, #tpu.memory_space<semaphore_mem>>
      %dma_start3A = tpu.memref_slice %arg3[%mul3A_2] : memref<640000xi32, #tpu.memory_space<hbm>> -> memref<20000xi32, #tpu.memory_space<hbm>>
      %dma_start3A_27 = tpu.memref_slice %arg3[%mul3A_2] : memref<640000xi32, #tpu.memory_space<hbm>> -> memref<20000xi32, #tpu.memory_space<hbm>>
      tpu.enqueue_dma source(%dma_start3A_27 : memref<20000xi32, #tpu.memory_space<hbm>>) target(%arg6 : memref<20000xi32, #tpu.memory_space<vmem>>) target_semaphore(%run_scoped3A : memref<!tpu.dma_semaphore, #tpu.memory_space<semaphore_mem>>)
      %dma_wait3A = tpu.memref_slice %arg3[%mul3A_2] : memref<640000xi32, #tpu.memory_space<hbm>> -> memref<20000xi32, #tpu.memory_space<hbm>>
      %dma_wait3A_28 = tpu.memref_slice %arg3[%mul3A_2] : memref<640000xi32, #tpu.memory_space<hbm>> -> memref<20000xi32, #tpu.memory_space<hbm>>
      tpu.wait_dma2 semaphore(%run_scoped3A : memref<!tpu.dma_semaphore, #tpu.memory_space<semaphore_mem>>) src(%dma_wait3A_28 : memref<20000xi32, #tpu.memory_space<hbm>>) dst(%arg6 : memref<20000xi32, #tpu.memory_space<vmem>>)
      tpu.yield
    }) : () -> ()
    %scan3A = arith.constant 0 : i32
    %scan3A_3 = arith.constant 0 : i32
    %scan3A_4 = arith.constant 1248 : i32
    %scan3A_5 = arith.addi %scan3A_3, %scan3A_4 : i32
    %scan3A_6 = arith.constant 8 : i32
    scf.for %scan3A_27 = %scan3A_3 to %scan3A_5 step %scan3A_6  : i32 {
      %mul3A_28 = arith.constant 16 : i32
      %mul3A_29 = arith.muli %scan3A_27, %mul3A_28 : i32
      %get3A_30 = arith.index_cast %mul3A_29 : i32 to index
      %get3A_31 = tpu.vector_load %arg6[%get3A_30] {strides = array<i32>} : memref<20000xi32, #tpu.memory_space<vmem>>, vector<16xi32>,
      %gather3A_32 = tpu.vector_load_idx %arg5[%get3A_31] : memref<10240xf32, #tpu.memory_space<vmem>>[vector<16xi32>], vector<16xf32>,
      %mul3A_33 = arith.constant 16 : i32
      %mul3A_34 = arith.muli %scan3A_27, %mul3A_33 : i32
      %swap3A_35 = arith.index_cast %mul3A_34 : i32 to index
      %swap3A_36 = tpu.vector_load %arg7[%swap3A_35] {strides = array<i32>} : memref<20000xf32, #tpu.memory_space<vmem>>, vector<16xf32>,
      tpu.vector_store %arg7[%swap3A_35], %gather3A_32 {strides = array<i32>} : memref<20000xf32, #tpu.memory_space<vmem>>, vector<16xf32>,
      %scan3A_37 = arith.constant 1 : i32
      %scan3A_38 = arith.addi %scan3A_27, %scan3A_37 : i32
      %mul3A_39 = arith.constant 16 : i32
      %mul3A_40 = arith.muli %scan3A_38, %mul3A_39 : i32
      %get3A_41 = arith.index_cast %mul3A_40 : i32 to index
      %get3A_42 = tpu.vector_load %arg6[%get3A_41] {strides = array<i32>} : memref<20000xi32, #tpu.memory_space<vmem>>, vector<16xi32>,
      %gather3A_43 = tpu.vector_load_idx %arg5[%get3A_42] : memref<10240xf32, #tpu.memory_space<vmem>>[vector<16xi32>], vector<16xf32>,
      %mul3A_44 = arith.constant 16 : i32
      %mul3A_45 = arith.muli %scan3A_38, %mul3A_44 : i32
      %swap3A_46 = arith.index_cast %mul3A_45 : i32 to index
      %swap3A_47 = tpu.vector_load %arg7[%swap3A_46] {strides = array<i32>} : memref<20000xf32, #tpu.memory_space<vmem>>, vector<16xf32>,
      tpu.vector_store %arg7[%swap3A_46], %gather3A_43 {strides = array<i32>} : memref<20000xf32, #tpu.memory_space<vmem>>, vector<16xf32>,
      %scan3A_48 = arith.constant 2 : i32
      %scan3A_49 = arith.addi %scan3A_27, %scan3A_48 : i32
      %mul3A_50 = arith.constant 16 : i32
      %mul3A_51 = arith.muli %scan3A_49, %mul3A_50 : i32
      %get3A_52 = arith.index_cast %mul3A_51 : i32 to index
      %get3A_53 = tpu.vector_load %arg6[%get3A_52] {strides = array<i32>} : memref<20000xi32, #tpu.memory_space<vmem>>, vector<16xi32>,
      %gather3A_54 = tpu.vector_load_idx %arg5[%get3A_53] : memref<10240xf32, #tpu.memory_space<vmem>>[vector<16xi32>], vector<16xf32>,
      %mul3A_55 = arith.constant 16 : i32
      %mul3A_56 = arith.muli %scan3A_49, %mul3A_55 : i32
      %swap3A_57 = arith.index_cast %mul3A_56 : i32 to index
      %swap3A_58 = tpu.vector_load %arg7[%swap3A_57] {strides = array<i32>} : memref<20000xf32, #tpu.memory_space<vmem>>, vector<16xf32>,
      tpu.vector_store %arg7[%swap3A_57], %gather3A_54 {strides = array<i32>} : memref<20000xf32, #tpu.memory_space<vmem>>, vector<16xf32>,
      %scan3A_59 = arith.constant 3 : i32
      %scan3A_60 = arith.addi %scan3A_27, %scan3A_59 : i32
      %mul3A_61 = arith.constant 16 : i32
      %mul3A_62 = arith.muli %scan3A_60, %mul3A_61 : i32
      %get3A_63 = arith.index_cast %mul3A_62 : i32 to index
      %get3A_64 = tpu.vector_load %arg6[%get3A_63] {strides = array<i32>} : memref<20000xi32, #tpu.memory_space<vmem>>, vector<16xi32>,
      %gather3A_65 = tpu.vector_load_idx %arg5[%get3A_64] : memref<10240xf32, #tpu.memory_space<vmem>>[vector<16xi32>], vector<16xf32>,
      %mul3A_66 = arith.constant 16 : i32
      %mul3A_67 = arith.muli %scan3A_60, %mul3A_66 : i32
      %swap3A_68 = arith.index_cast %mul3A_67 : i32 to index
      %swap3A_69 = tpu.vector_load %arg7[%swap3A_68] {strides = array<i32>} : memref<20000xf32, #tpu.memory_space<vmem>>, vector<16xf32>,
      tpu.vector_store %arg7[%swap3A_68], %gather3A_65 {strides = array<i32>} : memref<20000xf32, #tpu.memory_space<vmem>>, vector<16xf32>,
      %scan3A_70 = arith.constant 4 : i32
      %scan3A_71 = arith.addi %scan3A_27, %scan3A_70 : i32
      %mul3A_72 = arith.constant 16 : i32
      %mul3A_73 = arith.muli %scan3A_71, %mul3A_72 : i32
      %get3A_74 = arith.index_cast %mul3A_73 : i32 to index
      %get3A_75 = tpu.vector_load %arg6[%get3A_74] {strides = array<i32>} : memref<20000xi32, #tpu.memory_space<vmem>>, vector<16xi32>,
      %gather3A_76 = tpu.vector_load_idx %arg5[%get3A_75] : memref<10240xf32, #tpu.memory_space<vmem>>[vector<16xi32>], vector<16xf32>,
      %mul3A_77 = arith.constant 16 : i32
      %mul3A_78 = arith.muli %scan3A_71, %mul3A_77 : i32
      %swap3A_79 = arith.index_cast %mul3A_78 : i32 to index
      %swap3A_80 = tpu.vector_load %arg7[%swap3A_79] {strides = array<i32>} : memref<20000xf32, #tpu.memory_space<vmem>>, vector<16xf32>,
      tpu.vector_store %arg7[%swap3A_79], %gather3A_76 {strides = array<i32>} : memref<20000xf32, #tpu.memory_space<vmem>>, vector<16xf32>,
      %scan3A_81 = arith.constant 5 : i32
      %scan3A_82 = arith.addi %scan3A_27, %scan3A_81 : i32
      %mul3A_83 = arith.constant 16 : i32
      %mul3A_84 = arith.muli %scan3A_82, %mul3A_83 : i32
      %get3A_85 = arith.index_cast %mul3A_84 : i32 to index
      %get3A_86 = tpu.vector_load %arg6[%get3A_85] {strides = array<i32>} : memref<20000xi32, #tpu.memory_space<vmem>>, vector<16xi32>,
      %gather3A_87 = tpu.vector_load_idx %arg5[%get3A_86] : memref<10240xf32, #tpu.memory_space<vmem>>[vector<16xi32>], vector<16xf32>,
      %mul3A_88 = arith.constant 16 : i32
      %mul3A_89 = arith.muli %scan3A_82, %mul3A_88 : i32
      %swap3A_90 = arith.index_cast %mul3A_89 : i32 to index
      %swap3A_91 = tpu.vector_load %arg7[%swap3A_90] {strides = array<i32>} : memref<20000xf32, #tpu.memory_space<vmem>>, vector<16xf32>,
      tpu.vector_store %arg7[%swap3A_90], %gather3A_87 {strides = array<i32>} : memref<20000xf32, #tpu.memory_space<vmem>>, vector<16xf32>,
      %scan3A_92 = arith.constant 6 : i32
      %scan3A_93 = arith.addi %scan3A_27, %scan3A_92 : i32
      %mul3A_94 = arith.constant 16 : i32
      %mul3A_95 = arith.muli %scan3A_93, %mul3A_94 : i32
      %get3A_96 = arith.index_cast %mul3A_95 : i32 to index
      %get3A_97 = tpu.vector_load %arg6[%get3A_96] {strides = array<i32>} : memref<20000xi32, #tpu.memory_space<vmem>>, vector<16xi32>,
      %gather3A_98 = tpu.vector_load_idx %arg5[%get3A_97] : memref<10240xf32, #tpu.memory_space<vmem>>[vector<16xi32>], vector<16xf32>,
      %mul3A_99 = arith.constant 16 : i32
      %mul3A_100 = arith.muli %scan3A_93, %mul3A_99 : i32
      %swap3A_101 = arith.index_cast %mul3A_100 : i32 to index
      %swap3A_102 = tpu.vector_load %arg7[%swap3A_101] {strides = array<i32>} : memref<20000xf32, #tpu.memory_space<vmem>>, vector<16xf32>,
      tpu.vector_store %arg7[%swap3A_101], %gather3A_98 {strides = array<i32>} : memref<20000xf32, #tpu.memory_space<vmem>>, vector<16xf32>,
      %scan3A_103 = arith.constant 7 : i32
      %scan3A_104 = arith.addi %scan3A_27, %scan3A_103 : i32
      %mul3A_105 = arith.constant 16 : i32
      %mul3A_106 = arith.muli %scan3A_104, %mul3A_105 : i32
      %get3A_107 = arith.index_cast %mul3A_106 : i32 to index
      %get3A_108 = tpu.vector_load %arg6[%get3A_107] {strides = array<i32>} : memref<20000xi32, #tpu.memory_space<vmem>>, vector<16xi32>,
      %gather3A_109 = tpu.vector_load_idx %arg5[%get3A_108] : memref<10240xf32, #tpu.memory_space<vmem>>[vector<16xi32>], vector<16xf32>,
      %mul3A_110 = arith.constant 16 : i32
      %mul3A_111 = arith.muli %scan3A_104, %mul3A_110 : i32
      %swap3A_112 = arith.index_cast %mul3A_111 : i32 to index
      %swap3A_113 = tpu.vector_load %arg7[%swap3A_112] {strides = array<i32>} : memref<20000xf32, #tpu.memory_space<vmem>>, vector<16xf32>,
      tpu.vector_store %arg7[%swap3A_112], %gather3A_109 {strides = array<i32>} : memref<20000xf32, #tpu.memory_space<vmem>>, vector<16xf32>,
    }
    %scan3A_7 = arith.constant 1248 : i32
    %scan3A_8 = arith.addi %scan3A_3, %scan3A_7 : i32
    %mul3A_9 = arith.constant 16 : i32
    %mul3A_10 = arith.muli %scan3A_8, %mul3A_9 : i32
    %get3A = arith.index_cast %mul3A_10 : i32 to index
    %get3A_11 = tpu.vector_load %arg6[%get3A] {strides = array<i32>} : memref<20000xi32, #tpu.memory_space<vmem>>, vector<16xi32>,
    %gather3A = tpu.vector_load_idx %arg5[%get3A_11] : memref<10240xf32, #tpu.memory_space<vmem>>[vector<16xi32>], vector<16xf32>,
    %mul3A_12 = arith.constant 16 : i32
    %mul3A_13 = arith.muli %scan3A_8, %mul3A_12 : i32
    %swap3A = arith.index_cast %mul3A_13 : i32 to index
    %swap3A_14 = tpu.vector_load %arg7[%swap3A] {strides = array<i32>} : memref<20000xf32, #tpu.memory_space<vmem>>, vector<16xf32>,
    tpu.vector_store %arg7[%swap3A], %gather3A {strides = array<i32>} : memref<20000xf32, #tpu.memory_space<vmem>>, vector<16xf32>,
    %scan3A_15 = arith.constant 1249 : i32
    %scan3A_16 = arith.addi %scan3A_3, %scan3A_15 : i32
    %mul3A_17 = arith.constant 16 : i32
    %mul3A_18 = arith.muli %scan3A_16, %mul3A_17 : i32
    %get3A_19 = arith.index_cast %mul3A_18 : i32 to index
    %get3A_20 = tpu.vector_load %arg6[%get3A_19] {strides = array<i32>} : memref<20000xi32, #tpu.memory_space<vmem>>, vector<16xi32>,
    %gather3A_21 = tpu.vector_load_idx %arg5[%get3A_20] : memref<10240xf32, #tpu.memory_space<vmem>>[vector<16xi32>], vector<16xf32>,
    %mul3A_22 = arith.constant 16 : i32
    %mul3A_23 = arith.muli %scan3A_16, %mul3A_22 : i32
    %swap3A_24 = arith.index_cast %mul3A_23 : i32 to index
    %swap3A_25 = tpu.vector_load %arg7[%swap3A_24] {strides = array<i32>} : memref<20000xf32, #tpu.memory_space<vmem>>, vector<16xf32>,
    tpu.vector_store %arg7[%swap3A_24], %gather3A_21 {strides = array<i32>} : memref<20000xf32, #tpu.memory_space<vmem>>, vector<16xf32>,
    %scan3A_26 = arith.constant 1250 : i32
    "tpu.region"() ({
      %run_scoped3A = tpu.sem_alloc : memref<!tpu.dma_semaphore, #tpu.memory_space<semaphore_mem>>
      %dma_start3A = tpu.memref_slice %arg4[%mul3A_2] : memref<640000xf32, #tpu.memory_space<hbm>> -> memref<20000xf32, #tpu.memory_space<hbm>>
      %dma_start3A_27 = tpu.memref_slice %arg4[%mul3A_2] : memref<640000xf32, #tpu.memory_space<hbm>> -> memref<20000xf32, #tpu.memory_space<hbm>>
      tpu.enqueue_dma source(%arg7 : memref<20000xf32, #tpu.memory_space<vmem>>) target(%dma_start3A_27 : memref<20000xf32, #tpu.memory_space<hbm>>) target_semaphore(%run_scoped3A : memref<!tpu.dma_semaphore, #tpu.memory_space<semaphore_mem>>)
      %dma_wait3A = tpu.memref_slice %arg4[%mul3A_2] : memref<640000xf32, #tpu.memory_space<hbm>> -> memref<20000xf32, #tpu.memory_space<hbm>>
      %dma_wait3A_28 = tpu.memref_slice %arg4[%mul3A_2] : memref<640000xf32, #tpu.memory_space<hbm>> -> memref<20000xf32, #tpu.memory_space<hbm>>
      tpu.wait_dma2 semaphore(%run_scoped3A : memref<!tpu.dma_semaphore, #tpu.memory_space<semaphore_mem>>) src(%arg7 : memref<20000xf32, #tpu.memory_space<vmem>>) dst(%dma_wait3A_28 : memref<20000xf32, #tpu.memory_space<hbm>>)
      tpu.yield
    }) : () -> ()
    return
  }
}

module attributes {stable_mosaic.version = 14 : i64} {
  func.func @_tc_body(%arg0: i32, %arg1: memref<1x1x6400xf32, #tpu.memory_space<vmem>>, %arg2: memref<1x1x6400xi32, #tpu.memory_space<vmem>>, %arg3: memref<128x6400xf32, #tpu.memory_space<vmem>>, %arg4: memref<128x6400xf32, #tpu.memory_space<vmem>>, %arg5: memref<128x6400xf32, #tpu.memory_space<vmem>>, %arg6: memref<1x1xf32, #tpu.memory_space<vmem>>, %arg7: memref<1x1xf32, #tpu.memory_space<vmem>>, %arg8: memref<1x1xf32, #tpu.memory_space<vmem>>, %arg9: memref<128x128xf32, #tpu.memory_space<vmem>>, %arg10: memref<128x6400xf32, #tpu.memory_space<vmem>>, %arg11: memref<128x6400xf32, #tpu.memory_space<vmem>>, %arg12: memref<128x6400xf32, #tpu.memory_space<vmem>>, %arg13: memref<64x128xf32, #tpu.memory_space<vmem>>, %arg14: memref<64x6400xf32, #tpu.memory_space<vmem>>, %arg15: memref<1x64xf32, #tpu.memory_space<vmem>>, %arg16: memref<1x1xf32, #tpu.memory_space<vmem>>, %arg17: memref<2x128xf32, #tpu.memory_space<vmem>>, %arg18: memref<80x128xf32, #tpu.memory_space<vmem>>, %arg19: memref<80x128xf32, #tpu.memory_space<vmem>>, %arg20: memref<80x128xf32, #tpu.memory_space<vmem>>, %arg21: memref<160x128xf32, #tpu.memory_space<vmem>>, %arg22: memref<160x128xf32, #tpu.memory_space<vmem>>, %arg23: memref<80x128xf32, #tpu.memory_space<vmem>>, %arg24: memref<3x1xf32, #tpu.memory_space<smem>>) attributes {dimension_semantics = [#tpu.dimension_semantics<arbitrary>], iteration_bounds = array<i64: 100>, scalar_prefetch = 0 : i64, scratch_operands = 4 : i64, tpu.core_type = #tpu.core_type<tc>, window_params = [{transform_indices = @transform_0, window_bounds = array<i64: 1, 1, 6400>}, {transform_indices = @transform_1, window_bounds = array<i64: 1, 1, 6400>}, {pipeline_mode = #tpu.pipeline_mode<synchronous>, transform_indices = @transform_2, window_bounds = array<i64: 128, 6400>}, {pipeline_mode = #tpu.pipeline_mode<synchronous>, transform_indices = @transform_3, window_bounds = array<i64: 128, 6400>}, {pipeline_mode = #tpu.pipeline_mode<synchronous>, transform_indices = @transform_4, window_bounds = array<i64: 128, 6400>}, {pipeline_mode = #tpu.pipeline_mode<synchronous>, transform_indices = @transform_5, window_bounds = array<i64: 1, 1>}, {pipeline_mode = #tpu.pipeline_mode<synchronous>, transform_indices = @transform_6, window_bounds = array<i64: 1, 1>}, {pipeline_mode = #tpu.pipeline_mode<synchronous>, transform_indices = @transform_7, window_bounds = array<i64: 1, 1>}, {pipeline_mode = #tpu.pipeline_mode<synchronous>, transform_indices = @transform_8, window_bounds = array<i64: 128, 128>}, {pipeline_mode = #tpu.pipeline_mode<synchronous>, transform_indices = @transform_9, window_bounds = array<i64: 128, 6400>}, {pipeline_mode = #tpu.pipeline_mode<synchronous>, transform_indices = @transform_10, window_bounds = array<i64: 128, 6400>}, {pipeline_mode = #tpu.pipeline_mode<synchronous>, transform_indices = @transform_11, window_bounds = array<i64: 128, 6400>}, {pipeline_mode = #tpu.pipeline_mode<synchronous>, transform_indices = @transform_12, window_bounds = array<i64: 64, 128>}, {pipeline_mode = #tpu.pipeline_mode<synchronous>, transform_indices = @transform_13, window_bounds = array<i64: 64, 6400>}, {pipeline_mode = #tpu.pipeline_mode<synchronous>, transform_indices = @transform_14, window_bounds = array<i64: 1, 64>}, {pipeline_mode = #tpu.pipeline_mode<synchronous>, transform_indices = @transform_15, window_bounds = array<i64: 1, 1>}, {pipeline_mode = #tpu.pipeline_mode<synchronous>, transform_indices = @transform_16, window_bounds = array<i64: 2, 128>}, {pipeline_mode = #tpu.pipeline_mode<synchronous>, transform_indices = @transform_17, window_bounds = array<i64: 80, 128>}, {pipeline_mode = #tpu.pipeline_mode<synchronous>, transform_indices = @transform_18, window_bounds = array<i64: 80, 128>}, {pipeline_mode = #tpu.pipeline_mode<synchronous>, transform_indices = @transform_19, window_bounds = array<i64: 80, 128>}]} {
    %get3A = arith.constant 0 : index
    %get3A_0 = arith.constant 0 : index
    %get3A_1 = arith.constant 0 : index
    %get3A_2 = vector.load %arg1[%get3A, %get3A_0, %get3A_1] : memref<1x1x6400xf32, #tpu.memory_space<vmem>>, vector<1x1x6400xf32>
    %get3A_3 = vector.shape_cast %get3A_2 : vector<1x1x6400xf32> to vector<1x6400xf32>
    %get3A_4 = arith.constant 0 : index
    %get3A_5 = arith.constant 0 : index
    %get3A_6 = arith.constant 0 : index
    %get3A_7 = vector.load %arg2[%get3A_4, %get3A_5, %get3A_6] : memref<1x1x6400xi32, #tpu.memory_space<vmem>>, vector<1x1x6400xi32>
    %get3A_8 = vector.shape_cast %get3A_7 : vector<1x1x6400xi32> to vector<1x6400xi32>
    %get3A_9 = arith.constant 0 : index
    %get3A_10 = arith.constant 0 : index
    %get3A_11 = vector.load %arg6[%get3A_9, %get3A_10] : memref<1x1xf32, #tpu.memory_space<vmem>>, vector<1x1xf32>
    %mul3A = arith.mulf %get3A_3, %get3A_3 : vector<1x6400xf32>
    %mul3A_12 = vector.broadcast %get3A_11 : vector<1x1xf32> to vector<1x6400xf32>
    %mul3A_13 = arith.mulf %mul3A_12, %mul3A : vector<1x6400xf32>
    %get3A_14 = arith.constant 0 : index
    %get3A_15 = arith.constant 0 : index
    %get3A_16 = vector.load %arg7[%get3A_14, %get3A_15] : memref<1x1xf32, #tpu.memory_space<vmem>>, vector<1x1xf32>
    %mul3A_17 = vector.broadcast %get3A_16 : vector<1x1xf32> to vector<1x6400xf32>
    %mul3A_18 = arith.mulf %mul3A_17, %get3A_3 : vector<1x6400xf32>
    %add3A = arith.addf %mul3A_13, %mul3A_18 : vector<1x6400xf32>
    %get3A_19 = arith.constant 0 : index
    %get3A_20 = arith.constant 0 : index
    %get3A_21 = vector.load %arg8[%get3A_19, %get3A_20] : memref<1x1xf32, #tpu.memory_space<vmem>>, vector<1x1xf32>
    %add3A_22 = vector.broadcast %get3A_21 : vector<1x1xf32> to vector<1x6400xf32>
    %add3A_23 = arith.addf %add3A, %add3A_22 : vector<1x6400xf32>
    %add3A_24 = arith.constant 9.99999974E-6 : f32
    %add3A_25 = vector.broadcast %add3A_24 : f32 to vector<1x6400xf32>
    %add3A_26 = arith.addf %add3A_23, %add3A_25 : vector<1x6400xf32>
    %sqrt3A = math.sqrt %add3A_26 : vector<1x6400xf32>
    %div3A = arith.constant 1.000000e+00 : f32
    %div3A_27 = vector.broadcast %div3A : f32 to vector<1x6400xf32>
    %div3A_28 = arith.divf %div3A_27, %sqrt3A : vector<1x6400xf32>
    %get3A_29 = arith.constant 0 : index
    %get3A_30 = arith.constant 0 : index
    %get3A_31 = vector.load %arg3[%get3A_29, %get3A_30] : memref<128x6400xf32, #tpu.memory_space<vmem>>, vector<128x6400xf32>
    %mul3A_32 = arith.mulf %get3A_3, %div3A_28 : vector<1x6400xf32>
    %mul3A_33 = vector.broadcast %mul3A_32 : vector<1x6400xf32> to vector<128x6400xf32>
    %mul3A_34 = arith.mulf %get3A_31, %mul3A_33 : vector<128x6400xf32>
    %get3A_35 = arith.constant 0 : index
    %get3A_36 = arith.constant 0 : index
    %get3A_37 = vector.load %arg4[%get3A_35, %get3A_36] : memref<128x6400xf32, #tpu.memory_space<vmem>>, vector<128x6400xf32>
    %mul3A_38 = vector.broadcast %div3A_28 : vector<1x6400xf32> to vector<128x6400xf32>
    %mul3A_39 = arith.mulf %get3A_37, %mul3A_38 : vector<128x6400xf32>
    %add3A_40 = arith.addf %mul3A_34, %mul3A_39 : vector<128x6400xf32>
    %get3A_41 = arith.constant 0 : index
    %get3A_42 = arith.constant 0 : index
    %get3A_43 = vector.load %arg5[%get3A_41, %get3A_42] : memref<128x6400xf32, #tpu.memory_space<vmem>>, vector<128x6400xf32>
    %add3A_44 = arith.addf %add3A_40, %get3A_43 : vector<128x6400xf32>
    %max3A = arith.constant 0.000000e+00 : f32
    %max3A_45 = vector.broadcast %max3A : f32 to vector<128x6400xf32>
    %max3A_46 = arith.maximumf %add3A_44, %max3A_45 : vector<128x6400xf32>
    %get3A_47 = arith.constant 0 : index
    %get3A_48 = arith.constant 0 : index
    %get3A_49 = vector.load %arg9[%get3A_47, %get3A_48] : memref<128x128xf32, #tpu.memory_space<vmem>>, vector<128x128xf32>
    %dot_general3A = arith.constant dense<0.000000e+00> : vector<128x6400xf32>
    %dot_general3A_50 = tpu.matmul %get3A_49, %max3A_46, %dot_general3A {dimension_numbers = #tpu.dot_dimension_numbers<[1], [0], [0], [1], [0, 0, 1, 1], [], []>, transpose_lhs_hint = false} : vector<128x128xf32>, vector<128x6400xf32>, vector<128x6400xf32> -> vector<128x6400xf32>
    %get3A_51 = arith.constant 0 : index
    %get3A_52 = arith.constant 0 : index
    %get3A_53 = vector.load %arg10[%get3A_51, %get3A_52] : memref<128x6400xf32, #tpu.memory_space<vmem>>, vector<128x6400xf32>
    %add3A_54 = arith.addf %dot_general3A_50, %get3A_53 : vector<128x6400xf32>
    %get3A_55 = arith.constant 0 : index
    %get3A_56 = arith.constant 0 : index
    %get3A_57 = vector.load %arg11[%get3A_55, %get3A_56] : memref<128x6400xf32, #tpu.memory_space<vmem>>, vector<128x6400xf32>
    %get3A_58 = arith.constant 0 : index
    %get3A_59 = arith.constant 0 : index
    %get3A_60 = vector.load %arg12[%get3A_58, %get3A_59] : memref<128x6400xf32, #tpu.memory_space<vmem>>, vector<128x6400xf32>
    %reduce_sum3A = arith.constant dense<0.000000e+00> : vector<6400xf32>
    %reduce_sum3A_61 = vector.multi_reduction <add>, %add3A_54, %reduce_sum3A [0] : vector<128x6400xf32> to vector<6400xf32>
    %broadcast_in_dim3A = vector.shape_cast %reduce_sum3A_61 : vector<6400xf32> to vector<1x6400xf32>
    %div3A_62 = arith.constant 1.280000e+02 : f32
    %div3A_63 = vector.broadcast %div3A_62 : f32 to vector<1x6400xf32>
    %div3A_64 = arith.divf %broadcast_in_dim3A, %div3A_63 : vector<1x6400xf32>
    %sub3A = vector.broadcast %div3A_64 : vector<1x6400xf32> to vector<128x6400xf32>
    %sub3A_65 = arith.subf %add3A_54, %sub3A : vector<128x6400xf32>
    %mul3A_66 = arith.mulf %sub3A_65, %sub3A_65 : vector<128x6400xf32>
    %reduce_sum3A_67 = arith.constant dense<0.000000e+00> : vector<6400xf32>
    %reduce_sum3A_68 = vector.multi_reduction <add>, %mul3A_66, %reduce_sum3A_67 [0] : vector<128x6400xf32> to vector<6400xf32>
    %broadcast_in_dim3A_69 = vector.shape_cast %reduce_sum3A_68 : vector<6400xf32> to vector<1x6400xf32>
    %div3A_70 = arith.constant 1.280000e+02 : f32
    %div3A_71 = vector.broadcast %div3A_70 : f32 to vector<1x6400xf32>
    %div3A_72 = arith.divf %broadcast_in_dim3A_69, %div3A_71 : vector<1x6400xf32>
    %add3A_73 = arith.constant 9.99999974E-6 : f32
    %add3A_74 = vector.broadcast %add3A_73 : f32 to vector<1x6400xf32>
    %add3A_75 = arith.addf %div3A_72, %add3A_74 : vector<1x6400xf32>
    %sqrt3A_76 = math.sqrt %add3A_75 : vector<1x6400xf32>
    %div3A_77 = vector.broadcast %sqrt3A_76 : vector<1x6400xf32> to vector<128x6400xf32>
    %div3A_78 = arith.divf %sub3A_65, %div3A_77 : vector<128x6400xf32>
    %mul3A_79 = arith.mulf %div3A_78, %get3A_57 : vector<128x6400xf32>
    %add3A_80 = arith.addf %mul3A_79, %get3A_60 : vector<128x6400xf32>
    %max3A_81 = arith.constant 0.000000e+00 : f32
    %max3A_82 = vector.broadcast %max3A_81 : f32 to vector<128x6400xf32>
    %max3A_83 = arith.maximumf %add3A_80, %max3A_82 : vector<128x6400xf32>
    %get3A_84 = arith.constant 0 : index
    %get3A_85 = arith.constant 0 : index
    %get3A_86 = vector.load %arg13[%get3A_84, %get3A_85] : memref<64x128xf32, #tpu.memory_space<vmem>>, vector<64x128xf32>
    %dot_general3A_87 = arith.constant dense<0.000000e+00> : vector<64x6400xf32>
    %dot_general3A_88 = tpu.matmul %get3A_86, %max3A_83, %dot_general3A_87 {dimension_numbers = #tpu.dot_dimension_numbers<[1], [0], [0], [1], [0, 0, 1, 1], [], []>, transpose_lhs_hint = false} : vector<64x128xf32>, vector<128x6400xf32>, vector<64x6400xf32> -> vector<64x6400xf32>
    %get3A_89 = arith.constant 0 : index
    %get3A_90 = arith.constant 0 : index
    %get3A_91 = vector.load %arg14[%get3A_89, %get3A_90] : memref<64x6400xf32, #tpu.memory_space<vmem>>, vector<64x6400xf32>
    %add3A_92 = arith.addf %dot_general3A_88, %get3A_91 : vector<64x6400xf32>
    %max3A_93 = arith.constant 0.000000e+00 : f32
    %max3A_94 = vector.broadcast %max3A_93 : f32 to vector<64x6400xf32>
    %max3A_95 = arith.maximumf %add3A_92, %max3A_94 : vector<64x6400xf32>
    %get3A_96 = arith.constant 0 : index
    %get3A_97 = arith.constant 0 : index
    %get3A_98 = vector.load %arg15[%get3A_96, %get3A_97] : memref<1x64xf32, #tpu.memory_space<vmem>>, vector<1x64xf32>
    %dot_general3A_99 = arith.constant dense<0.000000e+00> : vector<1x6400xf32>
    %dot_general3A_100 = tpu.matmul %get3A_98, %max3A_95, %dot_general3A_99 {dimension_numbers = #tpu.dot_dimension_numbers<[1], [0], [0], [1], [0, 0, 1, 1], [], []>, transpose_lhs_hint = false} : vector<1x64xf32>, vector<64x6400xf32>, vector<1x6400xf32> -> vector<1x6400xf32>
    %get3A_101 = arith.constant 0 : index
    %get3A_102 = arith.constant 0 : index
    %get3A_103 = vector.load %arg16[%get3A_101, %get3A_102] : memref<1x1xf32, #tpu.memory_space<vmem>>, vector<1x1xf32>
    %add3A_104 = vector.broadcast %get3A_103 : vector<1x1xf32> to vector<1x6400xf32>
    %add3A_105 = arith.addf %dot_general3A_100, %add3A_104 : vector<1x6400xf32>
    %get3A_106 = arith.constant 0 : index
    %get3A_107 = arith.constant 0 : index
    %get3A_108 = vector.load %arg17[%get3A_106, %get3A_107] : memref<2x128xf32, #tpu.memory_space<vmem>>, vector<2x128xf32>
    %dot_general3A_109 = arith.constant dense<0.000000e+00> : vector<2x6400xf32>
    %dot_general3A_110 = tpu.matmul %get3A_108, %max3A_83, %dot_general3A_109 {dimension_numbers = #tpu.dot_dimension_numbers<[1], [0], [0], [1], [0, 0, 1, 1], [], []>, transpose_lhs_hint = false} : vector<2x128xf32>, vector<128x6400xf32>, vector<2x6400xf32> -> vector<2x6400xf32>
    %eq3A = arith.constant 0 : i32
    %eq3A_111 = arith.cmpi eq, %arg0, %eq3A : i32
    %reduce_max3A = vector.shape_cast %add3A_105 : vector<1x6400xf32> to vector<1x1x6400xf32>
    %reduce_max3A_112 = arith.constant dense<0xFF800000> : vector<1xf32>
    %reduce_max3A_113 = vector.multi_reduction <maximumf>, %reduce_max3A, %reduce_max3A_112 [1, 2] : vector<1x1x6400xf32> to vector<1xf32>
    %reduce_max3A_114 = vector.shape_cast %reduce_max3A_113 : vector<1xf32> to vector<1x1x1xf32>
    %reduce_max3A_115 = vector.extract %reduce_max3A_114[0, 0, 0] : f32 from vector<1x1x1xf32>
    %get3A_116 = arith.constant 0 : index
    %get3A_117 = arith.constant 0 : index
    %get3A_118 = memref.load %arg24[%get3A_116, %get3A_117] : memref<3x1xf32, #tpu.memory_space<smem>>
    %select_n3A = arith.select %eq3A_111, %reduce_max3A_115, %get3A_118 : f32
    %max3A_119 = arith.maximumf %select_n3A, %reduce_max3A_115 : f32
    %sub3A_120 = arith.subf %select_n3A, %max3A_119 : f32
    %exp3A = math.exp %sub3A_120 : f32
    %sub3A_121 = vector.broadcast %max3A_119 : f32 to vector<1x6400xf32>
    %sub3A_122 = arith.subf %add3A_105, %sub3A_121 : vector<1x6400xf32>
    %exp3A_123 = math.exp %sub3A_122 : vector<1x6400xf32>
    %slice3A = vector.extract_strided_slice %dot_general3A_110 {offsets = [0, 0], sizes = [1, 6400], strides = [1, 1]} : vector<2x6400xf32> to vector<1x6400xf32>
    %mul3A_124 = arith.mulf %slice3A, %exp3A_123 : vector<1x6400xf32>
    %slice3A_125 = vector.extract_strided_slice %dot_general3A_110 {offsets = [1, 0], sizes = [1, 6400], strides = [1, 1]} : vector<2x6400xf32> to vector<1x6400xf32>
    %mul3A_126 = arith.mulf %slice3A_125, %exp3A_123 : vector<1x6400xf32>
    %jit3A = arith.constant 128 : i32
    %div3A_127 = vector.broadcast %jit3A : i32 to vector<1x6400xi32>
    %div3A_128 = arith.divsi %get3A_8, %div3A_127 : vector<1x6400xi32>
    %sign3A = arith.constant 0 : i32
    %sign3A_129 = vector.broadcast %sign3A : i32 to vector<1x6400xi32>
    %sign3A_130 = arith.cmpi sgt, %get3A_8, %sign3A_129 : vector<1x6400xi32>
    %sign3A_131 = arith.extui %sign3A_130 : vector<1x6400xi1> to vector<1x6400xi32>
    %sign3A_132 = arith.constant 0 : i32
    %sign3A_133 = vector.broadcast %sign3A_132 : i32 to vector<1x6400xi32>
    %sign3A_134 = arith.cmpi slt, %get3A_8, %sign3A_133 : vector<1x6400xi32>
    %sign3A_135 = arith.extui %sign3A_134 : vector<1x6400xi1> to vector<1x6400xi32>
    %sign3A_136 = arith.subi %sign3A_131, %sign3A_135 : vector<1x6400xi32>
    %sign3A_137 = arith.constant 0 : i32
    %sign3A_138 = arith.cmpi sgt, %jit3A, %sign3A_137 : i32
    %sign3A_139 = arith.extui %sign3A_138 : i1 to i32
    %sign3A_140 = arith.constant 0 : i32
    %sign3A_141 = arith.cmpi slt, %jit3A, %sign3A_140 : i32
    %sign3A_142 = arith.extui %sign3A_141 : i1 to i32
    %sign3A_143 = arith.subi %sign3A_139, %sign3A_142 : i32
    %ne3A = vector.broadcast %sign3A_143 : i32 to vector<1x6400xi32>
    %ne3A_144 = arith.cmpi ne, %sign3A_136, %ne3A : vector<1x6400xi32>
    %rem3A = vector.broadcast %jit3A : i32 to vector<1x6400xi32>
    %rem3A_145 = arith.remsi %get3A_8, %rem3A : vector<1x6400xi32>
    %ne3A_146 = arith.constant 0 : i32
    %ne3A_147 = vector.broadcast %ne3A_146 : i32 to vector<1x6400xi32>
    %ne3A_148 = arith.cmpi ne, %rem3A_145, %ne3A_147 : vector<1x6400xi32>
    %and3A = arith.andi %ne3A_144, %ne3A_148 : vector<1x6400xi1>
    %sub3A_149 = arith.constant 1 : i32
    %sub3A_150 = vector.broadcast %sub3A_149 : i32 to vector<1x6400xi32>
    %sub3A_151 = arith.subi %div3A_128, %sub3A_150 : vector<1x6400xi32>
    %select_n3A_152 = arith.select %and3A, %sub3A_151, %div3A_128 : vector<1x6400xi1>, vector<1x6400xi32>
    %iota3A = tpu.iota {dimensions = array<i32: 0>} : vector<80x6400xi32>
    %eq3A_153 = vector.broadcast %select_n3A_152 : vector<1x6400xi32> to vector<80x6400xi32>
    %eq3A_154 = arith.cmpi eq, %eq3A_153, %iota3A : vector<80x6400xi32>
    %convert_element_type3A = arith.extui %eq3A_154 : vector<80x6400xi1> to vector<80x6400xi32>
    %convert_element_type3A_155 = arith.sitofp %convert_element_type3A : vector<80x6400xi32> to vector<80x6400xf32>
    %jit3A_156 = arith.constant 128 : i32
    %eq3A_157 = arith.constant 0 : i32
    %eq3A_158 = arith.cmpi eq, %jit3A_156, %eq3A_157 : i32
    %jit3A_159 = arith.constant 1 : i32
    %select_n3A_160 = arith.select %eq3A_158, %jit3A_159, %jit3A_156 : i32
    %rem3A_161 = vector.broadcast %select_n3A_160 : i32 to vector<1x6400xi32>
    %rem3A_162 = arith.remsi %get3A_8, %rem3A_161 : vector<1x6400xi32>
    %ne3A_163 = arith.constant 0 : i32
    %ne3A_164 = vector.broadcast %ne3A_163 : i32 to vector<1x6400xi32>
    %ne3A_165 = arith.cmpi ne, %rem3A_162, %ne3A_164 : vector<1x6400xi32>
    %lt3A = arith.constant 0 : i32
    %lt3A_166 = vector.broadcast %lt3A : i32 to vector<1x6400xi32>
    %lt3A_167 = arith.cmpi slt, %rem3A_162, %lt3A_166 : vector<1x6400xi32>
    %lt3A_168 = arith.constant 0 : i32
    %lt3A_169 = arith.cmpi slt, %select_n3A_160, %lt3A_168 : i32
    %ne3A_170 = vector.broadcast %lt3A_169 : i1 to vector<1x6400xi1>
    %ne3A_171 = vector.broadcast %ne3A_170 : vector<1x6400xi1> to vector<1x6400xi1>
    %ne3A_172 = arith.xori %lt3A_167, %ne3A_171 : vector<1x6400xi1>
    %and3A_173 = arith.andi %ne3A_172, %ne3A_165 : vector<1x6400xi1>
    %add3A_174 = vector.broadcast %select_n3A_160 : i32 to vector<1x6400xi32>
    %add3A_175 = arith.addi %rem3A_162, %add3A_174 : vector<1x6400xi32>
    %select_n3A_176 = arith.select %and3A_173, %add3A_175, %rem3A_162 : vector<1x6400xi1>, vector<1x6400xi32>
    %iota3A_177 = tpu.iota {dimensions = array<i32: 0>} : vector<128x6400xi32>
    %eq3A_178 = vector.broadcast %select_n3A_176 : vector<1x6400xi32> to vector<128x6400xi32>
    %eq3A_179 = arith.cmpi eq, %eq3A_178, %iota3A_177 : vector<128x6400xi32>
    %convert_element_type3A_180 = arith.extui %eq3A_179 : vector<128x6400xi1> to vector<128x6400xi32>
    %convert_element_type3A_181 = arith.sitofp %convert_element_type3A_180 : vector<128x6400xi32> to vector<128x6400xf32>
    %mul3A_182 = vector.broadcast %mul3A_124 : vector<1x6400xf32> to vector<80x6400xf32>
    %mul3A_183 = arith.mulf %convert_element_type3A_155, %mul3A_182 : vector<80x6400xf32>
    %mul3A_184 = vector.broadcast %mul3A_126 : vector<1x6400xf32> to vector<80x6400xf32>
    %mul3A_185 = arith.mulf %convert_element_type3A_155, %mul3A_184 : vector<80x6400xf32>
    %concatenate3A = tpu.concatenate %mul3A_183, %mul3A_185 in 0 : vector<80x6400xf32>, vector<80x6400xf32> -> vector<160x6400xf32>
    %dot_general3A_186 = arith.constant dense<0.000000e+00> : vector<160x128xf32>
    %dot_general3A_187 = tpu.matmul %concatenate3A, %convert_element_type3A_181, %dot_general3A_186 {dimension_numbers = #tpu.dot_dimension_numbers<[1], [1], [0], [0], [0, 0, 1, 0], [], []>, transpose_lhs_hint = false} : vector<160x6400xf32>, vector<128x6400xf32>, vector<160x128xf32> -> vector<160x128xf32>
    %dot_general3A_188 = arith.constant dense<0.000000e+00> : vector<80x128xf32>
    %dot_general3A_189 = tpu.matmul %convert_element_type3A_155, %convert_element_type3A_181, %dot_general3A_188 {dimension_numbers = #tpu.dot_dimension_numbers<[1], [1], [0], [0], [0, 0, 1, 0], [], []>, transpose_lhs_hint = false} : vector<80x6400xf32>, vector<128x6400xf32>, vector<80x128xf32> -> vector<80x128xf32>
    %get3A_190 = arith.constant 0 : index
    %get3A_191 = arith.constant 0 : index
    %get3A_192 = vector.load %arg21[%get3A_190, %get3A_191] : memref<160x128xf32, #tpu.memory_space<vmem>>, vector<160x128xf32>
    %jit3A_193 = arith.constant 0.000000e+00 : f32
    %broadcast_in_dim3A_194 = vector.broadcast %jit3A_193 : f32 to vector<160x128xf32>
    %select_n3A_195 = arith.select %eq3A_111, %broadcast_in_dim3A_194, %get3A_192 : vector<160x128xf32>
    %mul3A_196 = vector.broadcast %exp3A : f32 to vector<160x128xf32>
    %mul3A_197 = arith.mulf %select_n3A_195, %mul3A_196 : vector<160x128xf32>
    %get3A_198 = arith.constant 0 : index
    %get3A_199 = arith.constant 0 : index
    %get3A_200 = vector.load %arg22[%get3A_198, %get3A_199] : memref<160x128xf32, #tpu.memory_space<vmem>>, vector<160x128xf32>
    %jit3A_201 = arith.constant 0.000000e+00 : f32
    %broadcast_in_dim3A_202 = vector.broadcast %jit3A_201 : f32 to vector<160x128xf32>
    %select_n3A_203 = arith.select %eq3A_111, %broadcast_in_dim3A_202, %get3A_200 : vector<160x128xf32>
    %mul3A_204 = vector.broadcast %exp3A : f32 to vector<160x128xf32>
    %mul3A_205 = arith.mulf %select_n3A_203, %mul3A_204 : vector<160x128xf32>
    %sub3A_206 = arith.subf %dot_general3A_187, %mul3A_205 : vector<160x128xf32>
    %add3A_207 = arith.addf %mul3A_197, %sub3A_206 : vector<160x128xf32>
    %sub3A_208 = arith.subf %add3A_207, %mul3A_197 : vector<160x128xf32>
    %sub3A_209 = arith.subf %sub3A_208, %sub3A_206 : vector<160x128xf32>
    %swap3A = arith.constant 0 : index
    %swap3A_210 = arith.constant 0 : index
    %swap3A_211 = vector.load %arg22[%swap3A, %swap3A_210] : memref<160x128xf32, #tpu.memory_space<vmem>>, vector<160x128xf32>
    tpu.vector_store %arg22[%swap3A, %swap3A_210], %sub3A_209 {strides = array<i32>} : memref<160x128xf32, #tpu.memory_space<vmem>>, vector<160x128xf32>,
    %swap3A_212 = arith.constant 0 : index
    %swap3A_213 = arith.constant 0 : index
    %swap3A_214 = vector.load %arg21[%swap3A_212, %swap3A_213] : memref<160x128xf32, #tpu.memory_space<vmem>>, vector<160x128xf32>
    tpu.vector_store %arg21[%swap3A_212, %swap3A_213], %add3A_207 {strides = array<i32>} : memref<160x128xf32, #tpu.memory_space<vmem>>, vector<160x128xf32>,
    %get3A_215 = arith.constant 0 : index
    %get3A_216 = arith.constant 0 : index
    %get3A_217 = vector.load %arg23[%get3A_215, %get3A_216] : memref<80x128xf32, #tpu.memory_space<vmem>>, vector<80x128xf32>
    %jit3A_218 = arith.constant 0.000000e+00 : f32
    %broadcast_in_dim3A_219 = vector.broadcast %jit3A_218 : f32 to vector<80x128xf32>
    %select_n3A_220 = arith.select %eq3A_111, %broadcast_in_dim3A_219, %get3A_217 : vector<80x128xf32>
    %add3A_221 = arith.addf %select_n3A_220, %dot_general3A_189 : vector<80x128xf32>
    %swap3A_222 = arith.constant 0 : index
    %swap3A_223 = arith.constant 0 : index
    %swap3A_224 = vector.load %arg23[%swap3A_222, %swap3A_223] : memref<80x128xf32, #tpu.memory_space<vmem>>, vector<80x128xf32>
    tpu.vector_store %arg23[%swap3A_222, %swap3A_223], %add3A_221 {strides = array<i32>} : memref<80x128xf32, #tpu.memory_space<vmem>>, vector<80x128xf32>,
    %get3A_225 = arith.constant 1 : index
    %get3A_226 = arith.constant 0 : index
    %get3A_227 = memref.load %arg24[%get3A_225, %get3A_226] : memref<3x1xf32, #tpu.memory_space<smem>>
    %jit3A_228 = arith.constant 0.000000e+00 : f32
    %select_n3A_229 = arith.select %eq3A_111, %jit3A_228, %get3A_227 : f32
    %mul3A_230 = arith.mulf %select_n3A_229, %exp3A : f32
    %get3A_231 = arith.constant 2 : index
    %get3A_232 = arith.constant 0 : index
    %get3A_233 = memref.load %arg24[%get3A_231, %get3A_232] : memref<3x1xf32, #tpu.memory_space<smem>>
    %jit3A_234 = arith.constant 0.000000e+00 : f32
    %select_n3A_235 = arith.select %eq3A_111, %jit3A_234, %get3A_233 : f32
    %mul3A_236 = arith.mulf %select_n3A_235, %exp3A : f32
    %reduce_sum3A_237 = vector.shape_cast %exp3A_123 : vector<1x6400xf32> to vector<1x1x6400xf32>
    %reduce_sum3A_238 = arith.constant dense<0.000000e+00> : vector<1xf32>
    %reduce_sum3A_239 = vector.multi_reduction <add>, %reduce_sum3A_237, %reduce_sum3A_238 [1, 2] : vector<1x1x6400xf32> to vector<1xf32>
    %reduce_sum3A_240 = vector.shape_cast %reduce_sum3A_239 : vector<1xf32> to vector<1x1x1xf32>
    %reduce_sum3A_241 = vector.extract %reduce_sum3A_240[0, 0, 0] : f32 from vector<1x1x1xf32>
    %sub3A_242 = arith.subf %reduce_sum3A_241, %mul3A_236 : f32
    %add3A_243 = arith.addf %mul3A_230, %sub3A_242 : f32
    %swap3A_244 = arith.constant 0 : index
    %swap3A_245 = arith.constant 0 : index
    %swap3A_246 = memref.load %arg24[%swap3A_244, %swap3A_245] : memref<3x1xf32, #tpu.memory_space<smem>>
    memref.store %max3A_119, %arg24[%swap3A_244, %swap3A_245] : memref<3x1xf32, #tpu.memory_space<smem>>
    %swap3A_247 = arith.constant 1 : index
    %swap3A_248 = arith.constant 0 : index
    %swap3A_249 = memref.load %arg24[%swap3A_247, %swap3A_248] : memref<3x1xf32, #tpu.memory_space<smem>>
    memref.store %add3A_243, %arg24[%swap3A_247, %swap3A_248] : memref<3x1xf32, #tpu.memory_space<smem>>
    %sub3A_250 = arith.subf %add3A_243, %mul3A_230 : f32
    %sub3A_251 = arith.subf %sub3A_250, %sub3A_242 : f32
    %swap3A_252 = arith.constant 2 : index
    %swap3A_253 = arith.constant 0 : index
    %swap3A_254 = memref.load %arg24[%swap3A_252, %swap3A_253] : memref<3x1xf32, #tpu.memory_space<smem>>
    memref.store %sub3A_251, %arg24[%swap3A_252, %swap3A_253] : memref<3x1xf32, #tpu.memory_space<smem>>
    %eq3A_255 = arith.constant 99 : i32
    %eq3A_256 = arith.cmpi eq, %arg0, %eq3A_255 : i32
    %convert_element_type3A_257 = arith.extui %eq3A_256 : i1 to i32
    %cond3A = arith.constant 0 : i32
    %cond3A_258 = arith.cmpi ne, %convert_element_type3A_257, %cond3A : i32
    scf.if %cond3A_258 {
      %get3A_259 = arith.constant 0 : index
      %get3A_260 = arith.constant 0 : index
      %get3A_261 = vector.load %arg21[%get3A_259, %get3A_260] : memref<160x128xf32, #tpu.memory_space<vmem>>, vector<160x128xf32>
      %get3A_262 = arith.constant 1 : index
      %get3A_263 = arith.constant 0 : index
      %get3A_264 = memref.load %arg24[%get3A_262, %get3A_263] : memref<3x1xf32, #tpu.memory_space<smem>>
      %slice3A_265 = vector.extract_strided_slice %get3A_261 {offsets = [0, 0], sizes = [80, 128], strides = [1, 1]} : vector<160x128xf32> to vector<80x128xf32>
      %slice3A_266 = vector.extract_strided_slice %get3A_261 {offsets = [80, 0], sizes = [80, 128], strides = [1, 1]} : vector<160x128xf32> to vector<80x128xf32>
      %get3A_267 = arith.constant 0 : index
      %get3A_268 = arith.constant 0 : index
      %get3A_269 = vector.load %arg23[%get3A_267, %get3A_268] : memref<80x128xf32, #tpu.memory_space<vmem>>, vector<80x128xf32>
      %jit3A_270 = arith.constant 1.000000e+00 : f32
      %max3A_271 = vector.broadcast %jit3A_270 : f32 to vector<80x128xf32>
      %max3A_272 = arith.maximumf %max3A_271, %get3A_269 : vector<80x128xf32>
      %mul3A_273 = vector.broadcast %get3A_264 : f32 to vector<80x128xf32>
      %mul3A_274 = arith.mulf %mul3A_273, %max3A_272 : vector<80x128xf32>
      %div3A_275 = arith.divf %slice3A_265, %mul3A_274 : vector<80x128xf32>
      %mul3A_276 = vector.broadcast %get3A_264 : f32 to vector<80x128xf32>
      %mul3A_277 = arith.mulf %mul3A_276, %max3A_272 : vector<80x128xf32>
      %div3A_278 = arith.divf %slice3A_266, %mul3A_277 : vector<80x128xf32>
      %get3A_279 = arith.constant 0 : index
      %get3A_280 = arith.constant 0 : index
      %get3A_281 = vector.load %arg18[%get3A_279, %get3A_280] : memref<80x128xf32, #tpu.memory_space<vmem>>, vector<80x128xf32>
      %add3A_282 = arith.addf %div3A_275, %get3A_281 : vector<80x128xf32>
      %div3A_283 = arith.constant 1.000000e-01 : f32
      %div3A_284 = vector.broadcast %div3A_283 : f32 to vector<80x128xf32>
      %div3A_285 = arith.divf %add3A_282, %div3A_284 : vector<80x128xf32>
      %get3A_286 = arith.constant 0 : index
      %get3A_287 = arith.constant 0 : index
      %get3A_288 = vector.load %arg19[%get3A_286, %get3A_287] : memref<80x128xf32, #tpu.memory_space<vmem>>, vector<80x128xf32>
      %add3A_289 = arith.addf %div3A_278, %get3A_288 : vector<80x128xf32>
      %div3A_290 = arith.constant 1.000000e-01 : f32
      %div3A_291 = vector.broadcast %div3A_290 : f32 to vector<80x128xf32>
      %div3A_292 = arith.divf %add3A_289, %div3A_291 : vector<80x128xf32>
      %max3A_293 = arith.maximumf %div3A_285, %div3A_292 : vector<80x128xf32>
      %sub3A_294 = arith.subf %div3A_285, %max3A_293 : vector<80x128xf32>
      %exp3A_295 = math.exp %sub3A_294 : vector<80x128xf32>
      %sub3A_296 = arith.subf %div3A_292, %max3A_293 : vector<80x128xf32>
      %exp3A_297 = math.exp %sub3A_296 : vector<80x128xf32>
      %add3A_298 = arith.addf %exp3A_295, %exp3A_297 : vector<80x128xf32>
      %div3A_299 = arith.divf %exp3A_295, %add3A_298 : vector<80x128xf32>
      %ge3A = arith.cmpf oge, %div3A_285, %div3A_292 : vector<80x128xf32>
      %jit3A_300 = arith.constant 1.000000e+00 : f32
      %jit3A_301 = arith.constant 0.000000e+00 : f32
      %broadcast_in_dim3A_302 = vector.broadcast %jit3A_300 : f32 to vector<80x128xf32>
      %broadcast_in_dim3A_303 = vector.broadcast %jit3A_301 : f32 to vector<80x128xf32>
      %select_n3A_304 = arith.select %ge3A, %broadcast_in_dim3A_302, %broadcast_in_dim3A_303 : vector<80x128xi1>, vector<80x128xf32>
      %sub3A_305 = arith.subf %select_n3A_304, %div3A_299 : vector<80x128xf32>
      %add3A_306 = arith.addf %sub3A_305, %div3A_299 : vector<80x128xf32>
      %swap3A_307 = arith.constant 0 : index
      %swap3A_308 = arith.constant 0 : index
      %swap3A_309 = vector.load %arg20[%swap3A_307, %swap3A_308] : memref<80x128xf32, #tpu.memory_space<vmem>>, vector<80x128xf32>
      tpu.vector_store %arg20[%swap3A_307, %swap3A_308], %add3A_306 {strides = array<i32>} : memref<80x128xf32, #tpu.memory_space<vmem>>, vector<80x128xf32>,
    } else {
    }
    return
  }
  func.func @transform_0(%arg0: i32) -> (i32, i32, i32) {
    %c0_i32 = arith.constant 0 : i32
    %c0_i32_0 = arith.constant 0 : i32
    %c0_i32_1 = arith.constant 0 : i32
    return %arg0, %c0_i32, %c0_i32_0 : i32, i32, i32
  }
  func.func @transform_1(%arg0: i32) -> (i32, i32, i32) {
    %c0_i32 = arith.constant 0 : i32
    %c0_i32_0 = arith.constant 0 : i32
    %c0_i32_1 = arith.constant 0 : i32
    return %arg0, %c0_i32, %c0_i32_0 : i32, i32, i32
  }
  func.func @transform_2(%arg0: i32) -> (i32, i32) {
    %c0_i32 = arith.constant 0 : i32
    %c0_i32_0 = arith.constant 0 : i32
    %c0_i32_1 = arith.constant 0 : i32
    return %c0_i32, %c0_i32_0 : i32, i32
  }
  func.func @transform_3(%arg0: i32) -> (i32, i32) {
    %c0_i32 = arith.constant 0 : i32
    %c0_i32_0 = arith.constant 0 : i32
    %c0_i32_1 = arith.constant 0 : i32
    return %c0_i32, %c0_i32_0 : i32, i32
  }
  func.func @transform_4(%arg0: i32) -> (i32, i32) {
    %c0_i32 = arith.constant 0 : i32
    %c0_i32_0 = arith.constant 0 : i32
    %c0_i32_1 = arith.constant 0 : i32
    return %c0_i32, %c0_i32_0 : i32, i32
  }
  func.func @transform_5(%arg0: i32) -> (i32, i32) {
    %c0_i32 = arith.constant 0 : i32
    %c0_i32_0 = arith.constant 0 : i32
    %c0_i32_1 = arith.constant 0 : i32
    return %c0_i32, %c0_i32_0 : i32, i32
  }
  func.func @transform_6(%arg0: i32) -> (i32, i32) {
    %c0_i32 = arith.constant 0 : i32
    %c0_i32_0 = arith.constant 0 : i32
    %c0_i32_1 = arith.constant 0 : i32
    return %c0_i32, %c0_i32_0 : i32, i32
  }
  func.func @transform_7(%arg0: i32) -> (i32, i32) {
    %c0_i32 = arith.constant 0 : i32
    %c0_i32_0 = arith.constant 0 : i32
    %c0_i32_1 = arith.constant 0 : i32
    return %c0_i32, %c0_i32_0 : i32, i32
  }
  func.func @transform_8(%arg0: i32) -> (i32, i32) {
    %c0_i32 = arith.constant 0 : i32
    %c0_i32_0 = arith.constant 0 : i32
    %c0_i32_1 = arith.constant 0 : i32
    return %c0_i32, %c0_i32_0 : i32, i32
  }
  func.func @transform_9(%arg0: i32) -> (i32, i32) {
    %c0_i32 = arith.constant 0 : i32
    %c0_i32_0 = arith.constant 0 : i32
    %c0_i32_1 = arith.constant 0 : i32
    return %c0_i32, %c0_i32_0 : i32, i32
  }
  func.func @transform_10(%arg0: i32) -> (i32, i32) {
    %c0_i32 = arith.constant 0 : i32
    %c0_i32_0 = arith.constant 0 : i32
    %c0_i32_1 = arith.constant 0 : i32
    return %c0_i32, %c0_i32_0 : i32, i32
  }
  func.func @transform_11(%arg0: i32) -> (i32, i32) {
    %c0_i32 = arith.constant 0 : i32
    %c0_i32_0 = arith.constant 0 : i32
    %c0_i32_1 = arith.constant 0 : i32
    return %c0_i32, %c0_i32_0 : i32, i32
  }
  func.func @transform_12(%arg0: i32) -> (i32, i32) {
    %c0_i32 = arith.constant 0 : i32
    %c0_i32_0 = arith.constant 0 : i32
    %c0_i32_1 = arith.constant 0 : i32
    return %c0_i32, %c0_i32_0 : i32, i32
  }
  func.func @transform_13(%arg0: i32) -> (i32, i32) {
    %c0_i32 = arith.constant 0 : i32
    %c0_i32_0 = arith.constant 0 : i32
    %c0_i32_1 = arith.constant 0 : i32
    return %c0_i32, %c0_i32_0 : i32, i32
  }
  func.func @transform_14(%arg0: i32) -> (i32, i32) {
    %c0_i32 = arith.constant 0 : i32
    %c0_i32_0 = arith.constant 0 : i32
    %c0_i32_1 = arith.constant 0 : i32
    return %c0_i32, %c0_i32_0 : i32, i32
  }
  func.func @transform_15(%arg0: i32) -> (i32, i32) {
    %c0_i32 = arith.constant 0 : i32
    %c0_i32_0 = arith.constant 0 : i32
    %c0_i32_1 = arith.constant 0 : i32
    return %c0_i32, %c0_i32_0 : i32, i32
  }
  func.func @transform_16(%arg0: i32) -> (i32, i32) {
    %c0_i32 = arith.constant 0 : i32
    %c0_i32_0 = arith.constant 0 : i32
    %c0_i32_1 = arith.constant 0 : i32
    return %c0_i32, %c0_i32_0 : i32, i32
  }
  func.func @transform_17(%arg0: i32) -> (i32, i32) {
    %c0_i32 = arith.constant 0 : i32
    %c0_i32_0 = arith.constant 0 : i32
    %c0_i32_1 = arith.constant 0 : i32
    return %c0_i32, %c0_i32_0 : i32, i32
  }
  func.func @transform_18(%arg0: i32) -> (i32, i32) {
    %c0_i32 = arith.constant 0 : i32
    %c0_i32_0 = arith.constant 0 : i32
    %c0_i32_1 = arith.constant 0 : i32
    return %c0_i32, %c0_i32_0 : i32, i32
  }
  func.func @transform_19(%arg0: i32) -> (i32, i32) {
    %c0_i32 = arith.constant 0 : i32
    %c0_i32_0 = arith.constant 0 : i32
    %c0_i32_1 = arith.constant 0 : i32
    return %c0_i32, %c0_i32_0 : i32, i32
  }
}

</mosaic_0001>

<sc_bundles>
// kernel: kernel.4.cloned.1.call-start
scs
__scs_entry_jumppad:
0x0: {  	(pc) =	sbr.rel $0x88, $3  }
0x1: {  	(tag) =	ssettag $0x0;
	lr =	simm.s32 $0x1  }
0x2: {  	[smem:$0x3F91] =	sst lr;
	_ =	strace $0xD0000000  }
0x3: {  	_ = 	snop  }
0x4: {  	_ = 	snop  }
0x5: {  	_ = 	snop  }
0x6: {  	_ = 	snop  }
0x7: {  	_ = 	snop  }
__scs_overlays_trampoline_lowered:
0x8: {  	[smem:$0x3FA0] =	sst s0  }
0x9: {  	[smem:$0x3FA1] =	sst s1  }
0xa: {  	[smem:$0x3FA2] =	sst s2  }
0xb: {  	[smem:$0x3FA3] =	sst s3  }
0xc: {  	[smem:$0x3FA4] =	sst s4  }
0xd: {  	[smem:$0x3FA5] =	sst s5  }
0xe: {  	[smem:$0x3FA6] =	sst s6  }
0xf: {  	[smem:$0x3FA7] =	sst s7  }
0x10: {  	[smem:$0x3FA8] =	sst s8  }
0x11: {  	[smem:$0x3FA9] =	sst s9;
	s0 =	simm.s32 @!p0 $0x0  }
0x12: {  	s1 =	sld [smem:$0x3F8F];
	s0 =	simm.s32 @p0 $0x1  }
0x13: {  	[smem:$0x3FAA] =	sst s0;
	s0 =	simm.s32 @!p1 $0x0  }
0x14: {  	s2 =	sld [smem:$0x3F8E];
	s0 =	simm.s32 @p1 $0x1  }
0x15: {  	[smem:$0x3FAB] =	sst s0;
	s0 =	simm.s32 @!p2 $0x0  }
0x16: {  	s3 =	sld [smem:$0x3FDB];
	s0 =	simm.s32 @p2 $0x1  }
0x17: {  	s4 =	simm.s32 $0x1BF5;
	[smem:$0x3FAD] =	sst s0  }
0x18: {  	s0 =	sld [smem:$0x3F90];
	_ =	swait.ge [sflag:s4], $0x0  }
0x19: {  	s7 =	sld [smem:$0x3F91]  }
0x1a: {  	s8 =	sadd.s32 $0xFFFFE003, lr  }
0x1b: {  	s9 =	sadd.s32 $0xFFFFFEF7, lr;
	s5 =	simm.s32 $0xFFFFFFFF;
	p2 =	slt.u32 s8, $0xFFFFF086  }
0x1c: {  	p1 =	slt.u32 s9, $0xF7A;
	s5 =	simm.s32 @!p2 $0x0  }
0x1d: {  	s5 =	simm.s32 @p1 $0x1;
	p0 =	seq.s32 s7, s2  }
0x1e: {  	s7 =	smul.u32 @!p0 $0xF7A, s2;
	p2 =	seq.s32 @!p0 s5, $0x0  }
0x1f: {  	s9 =	smul.u32 $0xF7A, s1;
	s8 =	simm.s32 @!p0 $0x1BF5;
	p2 =	por !p2, p0  }
0x20: {  	[sflag:s8] =	ssyncset.s32 @!p0 $0xFFFFF086;
	s6 =	sadd.s32 @!p0 s3, s7;
	s7 =	simm.s32 @!p0 $0x108  }
0x21: {  	s3 =	sadd.s32 s3, s9;
	s6 =	sadd.s32 @!p0 $0x88, s6;
	s7 =	simm.s32 @p2 $0x1082  }
0x22: {  	[simem:s7], [sflag:s8] =	dma.local @!p0 [hbm:s6], $0xF7A  }
0x23: {  	s9 =	sor.u32 $0xD0000000, s2;
	s6 =	simm.s32 $0x108;
	_ =	swait.ge @!p0 [sflag:s8], $0x0  }
0x24: {  	s3 =	sadd.s32 $0x88, s3;
	s6 =	simm.s32 @!p1 $0x1082;
	[sflag:s4] =	ssyncset.s32 $0xFFFFF086  }
0x25: {  	[simem:s6], [sflag:s4] =	dma.local [hbm:s3], $0xF7A  }
0x26: {  	[smem:$0x3F91] =	sst s1;
	(tag) =	ssettag s2;
	_ =	strace s9  }
0x27: {  	s1 =	sld [smem:$0x3FA1]  }
0x28: {  	s2 =	sld [smem:$0x3FA2]  }
0x29: {  	s4 =	sld [smem:$0x3FA4]  }
0x2a: {  	p0 =	seq.s32 s5, $0x0;
	s5 =	sld [smem:$0x3FA5]  }
0x2b: {  	s6 =	sld [smem:$0x3FA6]  }
0x2c: {  	s7 =	sld [smem:$0x3FA7]  }
0x2d: {  	s3 =	simm.s32 $0x108;
	s8 =	sld [smem:$0x3FA8]  }
0x2e: {  	s3 =	simm.s32 @!p0 $0x1082;
	s9 =	sld [smem:$0x3FA9]  }
0x2f: {  	lr =	sadd.s32 s0, s3;
	s0 =	sld [smem:$0x3FA0]  }
0x30: {  	s3 =	sld [smem:$0x3FA3]  }
0x31: {  	[smem:$0x3FAC] =	sst s10  }
0x32: {  	s10 =	sld [smem:$0x3FAA];
	_ =	sdelay $0x3  }
0x33: {  	p0 =	seq.s32 s10, $0x1;
	s10 =	sld [smem:$0x3FAC];
	_ =	sdelay $0x3  }
0x34: {  	[smem:$0x3FAC] =	sst s10  }
0x35: {  	s10 =	sld [smem:$0x3FAB];
	_ =	sdelay $0x3  }
0x36: {  	p1 =	seq.s32 s10, $0x1;
	s10 =	sld [smem:$0x3FAC];
	_ =	sdelay $0x3  }
0x37: {  	[smem:$0x3FAC] =	sst s10  }
0x38: {  	s10 =	sld [smem:$0x3FAD]  }
0x39: {  	_ = 	snop;
	(pc) =	sbr.ind lr, $3  }
0x3a: {  	_ = 	snop  }
0x3b: {  	_ = 	snop  }
0x3c: {  	p2 =	seq.s32 s10, $0x1;
	s10 =	sld [smem:$0x3FAC]  }
0x3d: {  	_ =	shalt  }
0x3e: {  	_ =	shalt  }
0x3f: {  	_ =	shalt  }
0x40: {  	_ =	shalt  }
0x41: {  	_ =	shalt  }
0x42: {  	_ =	shalt  }
0x43: {  	_ =	shalt  }
0x44: {  	_ =	shalt  }
0x45: {  	_ =	shalt  }
0x46: {  	_ =	shalt  }
0x47: {  	_ =	shalt  }
0x48: {  	_ =	shalt  }
0x49: {  	_ =	shalt  }
0x4a: {  	_ =	shalt  }
0x4b: {  	_ =	shalt  }
0x4c: {  	_ =	shalt  }
0x4d: {  	_ =	shalt  }
0x4e: {  	_ =	shalt  }
0x4f: {  	_ =	shalt  }
0x50: {  	_ =	shalt  }
0x51: {  	_ =	shalt  }
0x52: {  	_ =	shalt  }
0x53: {  	_ =	shalt  }
0x54: {  	_ =	shalt  }
0x55: {  	_ =	shalt  }
0x56: {  	_ =	shalt  }
0x57: {  	_ =	shalt  }
0x58: {  	_ =	shalt  }
0x59: {  	_ =	shalt  }
0x5a: {  	_ =	shalt  }
0x5b: {  	_ =	shalt  }
0x5c: {  	_ =	shalt  }
0x5d: {  	_ =	shalt  }
0x5e: {  	_ =	shalt  }
0x5f: {  	_ =	shalt  }
0x60: {  	_ =	shalt  }
0x61: {  	_ =	shalt  }
0x62: {  	_ =	shalt  }
0x63: {  	_ =	shalt  }
0x64: {  	_ =	shalt  }
0x65: {  	_ =	shalt  }
0x66: {  	_ =	shalt  }
0x67: {  	_ =	shalt  }
0x68: {  	_ =	shalt  }
0x69: {  	_ =	shalt  }
0x6a: {  	_ =	shalt  }
0x6b: {  	_ =	shalt  }
0x6c: {  	_ =	shalt  }
0x6d: {  	_ =	shalt  }
0x6e: {  	_ =	shalt  }
0x6f: {  	_ =	shalt  }
0x70: {  	_ =	shalt  }
0x71: {  	_ =	shalt  }
0x72: {  	_ =	shalt  }
0x73: {  	_ =	shalt  }
0x74: {  	_ =	shalt  }
0x75: {  	_ =	shalt  }
0x76: {  	_ =	shalt  }
0x77: {  	_ =	shalt  }
0x78: {  	_ =	shalt  }
0x79: {  	_ =	shalt  }
0x7a: {  	_ =	shalt  }
0x7b: {  	_ =	shalt  }
0x7c: {  	_ =	shalt  }
0x7d: {  	_ =	shalt  }
0x7e: {  	_ =	shalt  }
0x7f: {  	_ =	shalt  }
0x80: {  	_ =	shalt  }
0x81: {  	_ =	shalt  }
0x82: {  	_ =	shalt  }
0x83: {  	_ =	shalt  }
0x84: {  	_ =	shalt  }
0x85: {  	_ =	shalt  }
0x86: {  	_ =	shalt  }
0x87: {  	_ =	shalt  }
.Lfunc_end0:
.L_simem_size_0:
called_computation_lowered:
.L_overlay_start_0:
0x88: {  	s2 =	sld [smem:$0x3FD9]  }
0x89: {  	s3 =	sld [smem:$0x3FFE];
	_ =	sdelay $0x1  }
0x8a: {  	s1 =	srdreg.scid  }
0x8b: {  	s0 =	sand.u32 $0x1, s1  }
0x8c: {  	s17 =	sshll.u32 s0, $0xA;
	s2 =	sadd.s32 s3, s2  }
0x8d: {  	s2 =	sadd.s32 s2, s17  }
0x8e: {  	[smem:$0x3FB8] =	sst s2  }
0x8f: {  	_ = 	snop  }
0x90: {  	s2 =	sld [smem:$0x3FC8]  }
0x91: {  	s18 =	sld [smem:$0x3FD0];
	(tm) =	ssettm $0x1  }
0x92: {  	s4 =	sld [smem:$0x3FFB];
	_ =	sdelay $0x3  }
0x93: {  	_ =	strace s4  }
0x94: {  	s4 =	sld [smem:$0x3FFC];
	_ =	sdelay $0x3  }
0x95: {  	_ =	strace s4  }
0x96: {  	s4 =	sld [smem:$0x3FFD];
	_ =	sdelay $0x3  }
0x97: {  	_ =	strace s4  }
0x98: {  	_ =	strace $0x8FFFFFFF  }
0x99: {  	s19 =	sld [smem:$0x3FDB];
	_ =	sdelay $0x1  }
0x9a: {  	s5 =	simm.s32 $_scs_section_size  }
0x9b: {  	s6 =	simm.s32 $_size__tile_overlayer_lowered;
	s7 =	simm.s32 $_tile_overlayer_lowered  }
0x9c: {  	s22 =	simm.s32 $0x1BFF;
	s21 =	sshll.u32 s7, $0x1;
	s4 =	sadd.s32 s5, s19  }
0x9d: {  	s8 =	simm.s32 $0x0;
	s20 =	sshll.u32 s6, $0x1;
	s6 =	sadd.s32 s21, s4  }
0x9e: {  	[timem:s8], [sflag:s22] =	dma.local [hbm:s6], s20  }
0x9f: {  	_ =	swait.ge [sflag:s22], s20  }
0xa0: {  	s5 =	ssub.s32 $0x0, s20;
	[sflag:s22] =	ssyncset.done $0x0  }
0xa1: {  	[sflag:s22] =	ssyncadd.s32 s5;
	_ =	sdelay $0x1  }
0xa2: {  	s23 =	simm.s32 $0x1B8B  }
0xa3: {  	_ =	swait.ge [sflag:s23], $0x1  }
0xa4: {  	[sflag:s23] =	ssyncset.done $0x0  }
0xa5: {  	s25 =	simm.s32 $0x1B8E;
	s24 =	sld [smem:$0x3FFE];
	[sflag:s23] =	ssyncadd.s32 $0xFFFFFFFF  }
0xa6: {  	s26 =	simm.s32 $execute0_lowered;
	[smem:$0x3FD2] =	sst s25  }
0xa7: {  	s6 =	sshll.u32 s26, $0x1;
	_ =	strace $0x80000046;
	[dreg:$0x1] =	wrdreg $0xFFFFFFFF  }
0xa8: {  	s28 =	simm.s32 $_size_execute0_lowered;
	s4 =	sadd.s32 s4, s6;
	[dreg:$0x0] =	wrdreg $0x0  }
0xa9: {  	s6 =	sshll.u32 s28, $0x1;
	[dreg:$0x2] =	wrdreg s4  }
0xaa: {  	[dreg:$0x3] =	wrdreg s6  }
0xab: {  	[dreg:$0x4] =	wrdreg $0xC0  }
0xac: {  	_ =	task [dreg:s8], $0x5FFFF  }
0xad: {  	[dreg:$0x1] =	wrdreg $0xFFFFFFFF  }
0xae: {  	[dreg:$0x0] =	wrdreg $0x60  }
0xaf: {  	[dreg:$0x2] =	wrdreg s24  }
0xb0: {  	[dreg:$0x3] =	wrdreg s2  }
0xb1: {  	[dreg:$0x4] =	wrdreg s18  }
0xb2: {  	[dreg:$0x5] =	wrdreg $0x9  }
0xb3: {  	_ =	task.clear_ibuf [dreg:s8], $0x6FFFF;
	_ =	strace $0x90000046  }
0xb4: {  	s29 =	simm.s32 $0x9;
	_ =	strace $0x80000048  }
0xb5: {  	_ =	swait.ge [sflag:s29], $0x1  }
0xb6: {  	[sflag:s29] =	ssyncadd.s32 $0xFFFFFFFF  }
0xb7: {  	_ =	strace $0x90000048  }
0xb8: {  	_ =	sfence  }
0xb9: {  	s30 =	sld [smem:$0x0];
	_ =	sdelay $0x2  }
0xba: {  	s31 =	sshll.u32 s1, $0xD;
	s1 =	sshrl.u32 s1, $0x2  }
0xbb: {  	s3 =	sand.u32 $0x4000, s31;
	s1 =	sadd.s32 s1, s30  }
0xbc: {  	s0 =	sor.u32 s3, s0;
	s1 =	sshll.u32 s1, $0x11  }
0xbd: {  	s0 =	sor.u32 s1, s0  }
0xbe: {  	s0 =	sadd.s32 $0x8F2B, s0  }
0xbf: {  	[sflag:s0] =	ssyncadd.remote.s32 $0x1  }
0xc0: {  	_ =	sfence.sel $0xFFFF  }
0xc1: {  	[dreg:$0x0] =	wrdreg $0xFFFFFFFF;
	(pc) =	sbr.abs _section_cstart, $3  }
0xc2: {  	[dreg:$0x1] =	wrdreg $0xFFFFFFFF  }
0xc3: {  	_ =	task.clear_ibuf [dreg:s8], $0x2FFFF;
	_ =	strace $0x9FFFFFFF  }
0xc4: {  	(tm) =	ssettm $0x7FFFFFFF  }
0xc5: {  	_ =	shalt  }
tec
execute0_lowered:
.L_overlay_start_1:
0x0: {  	(tag) =	ssettag $0x1  }
0x1: {  	s3 =	rddreg [dreg:$0x0]  }
0x2: {  	s4 =	rddreg [dreg:$0x1];
	s1 =	srdreg.scid  }
0x3: {  	s0 =	stileid.u32;
	s5 =	rddreg [dreg:$0x2];
	s2 =	simm.s32 $0x0  }
0x4: {  	s9 =	simm.s32 $0x7680;
	s6 =	sand.u32 $0x1, s1;
	s7 =	sshll.u32 s0, $0x1  }
0x5: {  	s10 =	simm.s32 $0x0;
	s1 =	rddreg [dreg:$0x3];
	s7 =	sor.u32 s6, s7  }
0x6: {  	[smem:$0x7FF] =	sst s2;
	s6 =	ssub.s32 $0x2, s6;
	s7 =	smul.u32 $0x9C4, s7  }
0x7: {  	s3 =	sadd.s32 $0x200, s3;
	_ =	strace $0x80000047;
	s8 =	sshrl.u32 s6, $0x1  }
0x8: {  	s6 =	ssub.s32 s6, s8;
	s8 =	simm.s32 $0x2800;
	s4 =	sadd.s32 s4, s7  }
0x9: {  	s5 =	sadd.s32 s5, s7;
	s6 =	smax.u32 s6, $0x1;
	s7 =	simm.s32 $0x1  }
.LBB2_1:
0xa: {  	[tilespmem:s2], [sflag:$0x1] =	stream.linear.gather [hbm4b:s3+s2], $0x2800, $0x38;
	[tilespmem:$0xC500] =	vst v63  }
0xb: {  	_ =	swait.ge [sflag:s7], $0x2800  }
0xc: {  	[sflag:s7] =	ssyncset.done $0x0  }
0xd: {  	[sflag:s7] =	ssyncadd.s32 $0xFFFFD800  }
0xe: {  	[tilespmem:s8], [sflag:$0x1] =	stream.linear.gather [hbm4b:s4+s2], $0x4E20, $0x38;
	[tilespmem:$0xC500] =	vst v63  }
0xf: {  	_ =	swait.ge [sflag:s7], $0x4E20  }
0x10: {  	s11 =	simm.s32 $0xFFFFFFF8;
	[sflag:s7] =	ssyncset.done $0x0  }
0x11: {  	s12 =	simm.s32 $0x2840;
	s13 =	simm.s32 $0x76C0;
	[sflag:s7] =	ssyncadd.s32 $0xFFFFB1E0  }
.LBB2_2:
0x12: {  	v0 =	vld [tilespmem:s12+$0xFFFFFFC0];
	_ =	sdelay $0x7  }
0x13: {  	v0 =	vld.idx.msk [tilespmem:v0+s2+$0x0], $0xffff;
	_ =	sdelay $0x4  }
0x14: {  	[tilespmem:s13+$0xFFFFFFC0] =	vst v0  }
0x15: {  	v0 =	vld [tilespmem:s12+$0xFFFFFFD0];
	_ =	sdelay $0x7  }
0x16: {  	v0 =	vld.idx.msk [tilespmem:v0+s2+$0x0], $0xffff;
	_ =	sdelay $0x4  }
0x17: {  	[tilespmem:s13+$0xFFFFFFD0] =	vst v0  }
0x18: {  	v0 =	vld [tilespmem:s12+$0xFFFFFFE0];
	_ =	sdelay $0x7  }
0x19: {  	v0 =	vld.idx.msk [tilespmem:v0+s2+$0x0], $0xffff;
	_ =	sdelay $0x4  }
0x1a: {  	[tilespmem:s13+$0xFFFFFFE0] =	vst v0  }
0x1b: {  	v0 =	vld [tilespmem:s12+$0xFFFFFFF0];
	_ =	sdelay $0x7  }
0x1c: {  	v0 =	vld.idx.msk [tilespmem:v0+s2+$0x0], $0xffff;
	_ =	sdelay $0x4  }
0x1d: {  	[tilespmem:s13+$0xFFFFFFF0] =	vst v0  }
0x1e: {  	v0 =	vld [tilespmem:s12+$0x0];
	_ =	sdelay $0x7  }
0x1f: {  	v0 =	vld.idx.msk [tilespmem:v0+s2+$0x0], $0xffff;
	_ =	sdelay $0x4  }
0x20: {  	[tilespmem:s13+$0x0] =	vst v0  }
0x21: {  	v0 =	vld [tilespmem:s12+$0x10];
	_ =	sdelay $0x7  }
0x22: {  	v0 =	vld.idx.msk [tilespmem:v0+s2+$0x0], $0xffff;
	_ =	sdelay $0x4  }
0x23: {  	[tilespmem:s13+$0x10] =	vst v0  }
0x24: {  	v0 =	vld [tilespmem:s12+$0x20];
	_ =	sdelay $0x7  }
0x25: {  	v0 =	vld.idx.msk [tilespmem:v0+s2+$0x0], $0xffff;
	_ =	sdelay $0x4  }
0x26: {  	[tilespmem:s13+$0x20] =	vst v0  }
0x27: {  	v0 =	vld [tilespmem:s12+$0x30];
	_ =	sdelay $0x6  }
0x28: {  	s11 =	sadd.s32 $0x8, s11  }
0x29: {  	p0 =	slt.u32 s11, $0x4D8;
	v0 =	vld.idx.msk [tilespmem:v0+s2+$0x0], $0xffff  }
.Ltmp0:
0x2a: {  	_ = 	snop;
	(pc) =	sbr.rel @p0 .LBB2_2-.Ltmp0, $2  }
0x2b: {  	_ =	sdelay $0x2  }
0x2c: {  	s12 =	sadd.s32 $0x80, s12;
	[tilespmem:s13+$0x30] =	vst v0;
	s13 =	sadd.s32 $0x80, s13  }
0x2d: {  	v0 =	vld [tilespmem:$0x7600];
	_ =	sdelay $0x5  }
0x2e: {  	v1 =	vld [tilespmem:$0x7610];
	_ =	sdelay $0x1  }
0x2f: {  	v0 =	vld.idx.msk [tilespmem:v0+s2+$0x0], $0xffff;
	_ =	sdelay $0x4  }
0x30: {  	[tilespmem:$0xC480] =	vst v0  }
0x31: {  	v0 =	vld.idx.msk [tilespmem:v1+s2+$0x0], $0xffff;
	_ =	sdelay $0x2  }
0x32: {  	s10 =	sadd.s32 $0x1, s10  }
0x33: {  	p0 =	sne.s32 s10, s6  }
.Ltmp1:
0x34: {  	[tilespmem:$0xC490] =	vst v0;
	(pc) =	sbr.rel @p0 .LBB2_1-.Ltmp1, $4  }
0x35: {  	[hbm4b:s5+s2] =	stream.linear.scatter [tilespmem:s9], [sflag:$0x1], $0x4E20, $0x38;
	[tilespmem:$0xC500] =	vst v63  }
0x36: {  	_ =	swait.ge [sflag:s7], $0x4E20  }
0x37: {  	[sflag:s7] =	ssyncset.done $0x0  }
0x38: {  	[sflag:s7] =	ssyncadd.s32 $0xFFFFB1E0  }
0x39: {  	_ =	sfence.sel $0x180000  }
0x3a: {  	[bflag:$0x0] =	sbarrier.arrive $0xFFFF  }
0x3b: {  	p0 =	sne.s32 s0, $0x0;
	_ =	strace $0x90000047  }
0x3c: {  	s0 =	sadd.s32 @!p0 $0x100000, s1;
	[bflag:$0x2] =	sbarrier.arrive $0xFFFF  }
0x3d: {  	[sflag:s0] =	ssyncadd.tile.s32 @!p0 $0x1;
	_ =	shalt  }
.Lfunc_end2:
_tile_overlayer_lowered:
.L_overlay_start_2:
0x3e: {  	(tag) =	ssettag $0x2  }
0x3f: {  	s0 =	rddreg [dreg:$0x0];
	s2 =	stileid.u32  }
0x40: {  	s1 =	rddreg [dreg:$0x1];
	p0 =	sne.s32 s2, $0x0  }
0x41: {  	s3 =	rddreg [dreg:$0x2];
	[bflag:$0x3] =	sbarrier.arrive $0xFFFF;
	s2 =	simm.s32 @!p0 $0x1C01  }
0x42: {  	[timem:s3], [sflag:s2] =	dma.local @!p0 [hbm:s0], s1  }
0x43: {  	s0 =	simm.s32 @!p0 $0x1  }
0x44: {  	_ =	swait.ge @!p0 [sflag:s0], s1  }
0x45: {  	s1 =	ssub.s32 @!p0 $0x0, s1;
	[sflag:s0] =	ssyncset.done @!p0 $0x0  }
0x46: {  	[sflag:s0] =	ssyncadd.s32 @!p0 s1  }
0x47: {  	[bflag:$0x3] =	sbarrier.arrive $0xFFFF  }
0x48: {  	_ =	shalt  }

</sc_bundles>
